<compile_context>
chip_gen: v7x
topology: tpu7x:2x2x1
jax: 0.10.2.dev20260603
libtpu: 0.0.44.dev20260713+nightly
codegen_flags: <defaults>
</compile_context>

<pallas_src>
import functools

import jax
import jax.numpy as jnp
from jax import lax
from jax.experimental import pallas as pl
from jax.experimental.pallas import tpu as pltpu
from jax.experimental.pallas import tpu_sc as plsc

VOCAB = 1000000
EMB = 32
OUT = 2
SEQ = 200
BATCH = 4096
LANES = 16

NUM_CORES = 2
NUM_SUBCORES = 16
NW = NUM_CORES * NUM_SUBCORES
BPW = BATCH // NW
BS = 25
NSLOT = 4
NBLK = SEQ // BS
INV_SEQ = 1.0 / SEQ

FOLD_BLK = 65536


def _fold_body(w_ref, tt_ref, s_ref):
    out = jnp.dot(w_ref[...], tt_ref[...],
                  preferred_element_type=jnp.float32) * INV_SEQ
    bb = out.astype(jnp.bfloat16)
    u = jax.lax.bitcast_convert_type(bb, jnp.uint16).astype(jnp.uint32)
    s_ref[...] = (u[1] << 16) | u[0]


_fold = pl.pallas_call(
    _fold_body,
    grid=(pl.cdiv(VOCAB, FOLD_BLK),),
    in_specs=[
        pl.BlockSpec((OUT, EMB), lambda i: (0, 0)),
        pl.BlockSpec((EMB, FOLD_BLK), lambda i: (0, i)),
    ],
    out_specs=pl.BlockSpec((FOLD_BLK,), lambda i: (i,)),
    out_shape=jax.ShapeDtypeStruct((VOCAB,), jnp.uint32),
)


def _pool_body(text_hbm, s_hbm, b_hbm, out_hbm,
               idx_v, b_v, buf_v, out_t, sems):
    cid = lax.axis_index("c")
    sid = lax.axis_index("s")
    wid = sid * NUM_CORES + cid
    base = wid * BPW

    pltpu.sync_copy(text_hbm.at[:, wid], idx_v)
    pltpu.sync_copy(b_hbm, b_v)
    bvec = b_v[pl.ds(0, LANES)]

    def fire(c, slot):
        def one(j, carry):
            r = c * BS + j
            pltpu.async_copy(s_hbm.at[idx_v.at[r // 8, r % 8]],
                             buf_v.at[slot, j], sems.at[slot])
            return carry
        lax.fori_loop(0, BS, one, 0)

    def wait(c, slot):
        def one(j, carry):
            r = c * BS + j
            pltpu.make_async_copy(s_hbm.at[idx_v.at[r // 8, r % 8]],
                                  buf_v.at[slot, j], sems.at[slot]).wait()
            return carry
        lax.fori_loop(0, BS, one, 0)

    fire(0, 0)
    fire(1, 1)
    fire(2, 2)

    NV = BPW // LANES

    def block(c, carry):
        slot = lax.rem(c, NSLOT)

        @pl.when(c + 3 < NBLK)
        def _():
            fire(c + 3, lax.rem(c + 3, NSLOT))

        wait(c, slot)

        himask = jnp.full((LANES,), 0xFFFF0000, jnp.uint32)

        def row(j, accs_t):
            accs2 = list(accs_t)
            for k in range(NV):
                u = buf_v[slot, j, pl.ds(k * LANES, LANES)]
                f0 = jax.lax.bitcast_convert_type(u << 16, jnp.float32)
                f1 = jax.lax.bitcast_convert_type(u & himask, jnp.float32)
                accs2[k] = accs2[k] + f0
                accs2[NV + k] = accs2[NV + k] + f1
            return tuple(accs2)

        return lax.fori_loop(0, BS, row, carry)

    zeros = jnp.zeros((LANES,), jnp.float32)
    accs = lax.fori_loop(0, NBLK, block, (zeros,) * (OUT * NV))

    for o in range(OUT):
        bo = jnp.full((LANES,), bvec[o], jnp.float32)
        for k in range(NV):
            out_t[o, pl.ds(k * LANES, LANES)] = accs[o * NV + k] + bo

    for o in range(OUT):
        pltpu.sync_copy(out_t.at[o], out_hbm.at[o, pl.ds(base, BPW)])


_pool = functools.partial(
    pl.kernel,
    out_type=jax.ShapeDtypeStruct((OUT, BATCH), jnp.float32),
    mesh=plsc.VectorSubcoreMesh(core_axis_name="c", subcore_axis_name="s",
                                num_cores=NUM_CORES,
                                num_subcores=NUM_SUBCORES),
    scratch_types=[
        pltpu.VMEM((SEQ // 8, 8, BPW), jnp.int32),
        pltpu.VMEM((LANES,), jnp.float32),
        pltpu.VMEM((NSLOT, BS, BPW), jnp.uint32),
        pltpu.VMEM((OUT, BPW), jnp.float32),
        pltpu.SemaphoreType.DMA((NSLOT,)),
    ],
    compiler_params=pltpu.CompilerParams(use_tc_tiling_on_sc=False),
)(_pool_body)


def kernel(text, lengths, table, W, b):
    del lengths
    s_packed = _fold(W, table.T)
    bpad = jnp.zeros((LANES,), jnp.float32).at[:OUT].set(b)
    text_tiled = text.reshape(SEQ // 8, 8, BATCH // 128, 128)\
                     .transpose(0, 2, 1, 3)
    return _pool(text_tiled, s_packed, bpad).T

# --- scband reference (transcript-rebuilt; emitter-appended) ---
"""Pipeline reference for scband-word-avgmodel-42691974922966 (READ-ONLY COPY).

The authoritative reference and input builder live on the scoring server;
editing this copy changes nothing except your own understanding.
"""

import jax, jax.numpy as jnp
import numpy as np

VOCAB = 1000000
EMB = 32
OUT = 2
PAD = 0
SEQ = 200
BATCH = 4096


def setup_inputs(seed: int = 0) -> dict:
    key = jax.random.key(seed)
    k1, k2, k3, k4, k5 = jax.random.split(key, 5)
    text = jax.random.randint(k1, (SEQ, BATCH), 0, VOCAB, dtype=jnp.int32)
    lengths = jax.random.randint(k2, (BATCH,), 0, SEQ, dtype=jnp.int32)
    table = jax.random.normal(k3, (VOCAB, EMB), dtype=jnp.float32)
    table = table.at[PAD].set(0.0)  # padding_idx row is zero
    W = jax.random.normal(k4, (OUT, EMB), dtype=jnp.float32) * 0.05
    b = jnp.zeros((OUT,), dtype=jnp.float32)
    return {"text": text, "lengths": lengths, "table": table, "W": W, "b": b}


def reference(text, lengths, table, W, b):
    # embedded = self.embedding(text)  -> [seq, batch, emb]
    embedded = jnp.take(table, text, axis=0)
    # embedded = embedded.permute(1, 0, 2) -> [batch, seq, emb]
    embedded = jnp.transpose(embedded, (1, 0, 2))
    # pooled = torch.mean(embedded, dim=1) -> [batch, emb]
    pooled = jnp.mean(embedded, axis=1)
    # dropout is identity in eval mode
    # out = self.fc(pooled) -> [batch, out]
    out = pooled @ W.T + b
    return out

if __name__ == "__main__":
    import jax
    _d = setup_inputs()
    print(jax.jit(kernel)(*tuple(_d.values())))

</pallas_src>

<mosaic_0001>
#map = affine_map<(d0, d1) -> (0, 0, 0, 0)>
#map1 = affine_map<(d0, d1) -> (0)>
#map2 = affine_map<(d0, d1) -> (0, 0)>
module attributes {stable_mosaic.version = 14 : i64} {
  func.func @_pool_body(%arg0: i32, %arg1: i32, %arg2: memref<25x32x8x128xi32, #tpu.memory_space<hbm>>, %arg3: memref<1000000xi32, #tpu.memory_space<hbm>>, %arg4: memref<16xf32, #tpu.memory_space<hbm>>, %arg5: memref<2x4096xf32, #tpu.memory_space<hbm>>, %arg6: memref<25x8x128xi32, #tpu.memory_space<vmem>>, %arg7: memref<16xf32, #tpu.memory_space<vmem>>, %arg8: memref<4x25x128xi32, #tpu.memory_space<vmem>>, %arg9: memref<2x128xf32, #tpu.memory_space<vmem>>, %arg10: memref<4x!tpu.dma_semaphore, #tpu.memory_space<semaphore_mem>>) attributes {dimension_semantics = [#tpu.dimension_semantics<core_parallel>, #tpu.dimension_semantics<subcore_parallel>], iteration_bounds = array<i64: 2, 16>, scalar_prefetch = 0 : i64, scratch_operands = 5 : i64, tpu.core_type = #tpu.core_type<sc_vector_subcore>, window_params = [{transform_indices = #map}, {transform_indices = #map1}, {transform_indices = #map1}, {transform_indices = #map2}]} {
    %mul3A = arith.constant 2 : i32
    %mul3A_0 = arith.muli %arg1, %mul3A : i32
    %add3A = arith.addi %mul3A_0, %arg0 : i32
    %mul3A_1 = arith.constant 128 : i32
    %mul3A_2 = arith.muli %add3A, %mul3A_1 : i32
    "tpu.region"() ({
      %run_scoped3A_147 = tpu.sem_alloc : memref<!tpu.dma_semaphore, #tpu.memory_space<semaphore_mem>>
      %dma_start3A = arith.constant 0 : i32
      %dma_start3A_148 = arith.constant 0 : i32
      %dma_start3A_149 = arith.constant 0 : i32
      %dma_start3A_150 = tpu.memref_slice %arg2[%dma_start3A, %add3A, %dma_start3A_148, %dma_start3A_149] : memref<25x32x8x128xi32, #tpu.memory_space<hbm>> -> memref<25x1x8x128xi32, #tpu.memory_space<hbm>>
      %dma_start3A_151 = tpu.memref_squeeze %dma_start3A_150 : memref<25x1x8x128xi32, #tpu.memory_space<hbm>> -> memref<25x8x128xi32, #tpu.memory_space<hbm>>
      %dma_start3A_152 = arith.constant 0 : i32
      %dma_start3A_153 = arith.constant 0 : i32
      %dma_start3A_154 = arith.constant 0 : i32
      %dma_start3A_155 = tpu.memref_slice %arg2[%dma_start3A_152, %add3A, %dma_start3A_153, %dma_start3A_154] : memref<25x32x8x128xi32, #tpu.memory_space<hbm>> -> memref<25x1x8x128xi32, #tpu.memory_space<hbm>>
      %dma_start3A_156 = tpu.memref_squeeze %dma_start3A_155 : memref<25x1x8x128xi32, #tpu.memory_space<hbm>> -> memref<25x8x128xi32, #tpu.memory_space<hbm>>
      tpu.enqueue_dma source(%dma_start3A_156 : memref<25x8x128xi32, #tpu.memory_space<hbm>>) target(%arg6 : memref<25x8x128xi32, #tpu.memory_space<vmem>>) target_semaphore(%run_scoped3A_147 : memref<!tpu.dma_semaphore, #tpu.memory_space<semaphore_mem>>)
      %dma_wait3A = arith.constant 0 : i32
      %dma_wait3A_157 = arith.constant 0 : i32
      %dma_wait3A_158 = arith.constant 0 : i32
      %dma_wait3A_159 = tpu.memref_slice %arg2[%dma_wait3A, %add3A, %dma_wait3A_157, %dma_wait3A_158] : memref<25x32x8x128xi32, #tpu.memory_space<hbm>> -> memref<25x1x8x128xi32, #tpu.memory_space<hbm>>
      %dma_wait3A_160 = tpu.memref_squeeze %dma_wait3A_159 : memref<25x1x8x128xi32, #tpu.memory_space<hbm>> -> memref<25x8x128xi32, #tpu.memory_space<hbm>>
      %dma_wait3A_161 = arith.constant 0 : i32
      %dma_wait3A_162 = arith.constant 0 : i32
      %dma_wait3A_163 = arith.constant 0 : i32
      %dma_wait3A_164 = tpu.memref_slice %arg2[%dma_wait3A_161, %add3A, %dma_wait3A_162, %dma_wait3A_163] : memref<25x32x8x128xi32, #tpu.memory_space<hbm>> -> memref<25x1x8x128xi32, #tpu.memory_space<hbm>>
      %dma_wait3A_165 = tpu.memref_squeeze %dma_wait3A_164 : memref<25x1x8x128xi32, #tpu.memory_space<hbm>> -> memref<25x8x128xi32, #tpu.memory_space<hbm>>
      tpu.wait_dma2 semaphore(%run_scoped3A_147 : memref<!tpu.dma_semaphore, #tpu.memory_space<semaphore_mem>>) src(%dma_wait3A_165 : memref<25x8x128xi32, #tpu.memory_space<hbm>>) dst(%arg6 : memref<25x8x128xi32, #tpu.memory_space<vmem>>)
      tpu.yield
    }) : () -> ()
    "tpu.region"() ({
      %run_scoped3A_147 = tpu.sem_alloc : memref<!tpu.dma_semaphore, #tpu.memory_space<semaphore_mem>>
      tpu.enqueue_dma source(%arg4 : memref<16xf32, #tpu.memory_space<hbm>>) target(%arg7 : memref<16xf32, #tpu.memory_space<vmem>>) target_semaphore(%run_scoped3A_147 : memref<!tpu.dma_semaphore, #tpu.memory_space<semaphore_mem>>)
      tpu.wait_dma2 semaphore(%run_scoped3A_147 : memref<!tpu.dma_semaphore, #tpu.memory_space<semaphore_mem>>) src(%arg4 : memref<16xf32, #tpu.memory_space<hbm>>) dst(%arg7 : memref<16xf32, #tpu.memory_space<vmem>>)
      tpu.yield
    }) : () -> ()
    %get3A = arith.constant 0 : index
    %get3A_3 = tpu.vector_load %arg7[%get3A] {strides = array<i32>} : memref<16xf32, #tpu.memory_space<vmem>>, vector<16xf32>,
    %get3A_4 = vector.shape_cast %get3A_3 : vector<16xf32> to vector<16xf32>
    %scan3A = arith.constant 0 : i32
    %scan3A_5 = arith.constant 0 : i32
    %scan3A_6 = arith.constant 25 : i32
    %scan3A_7 = arith.addi %scan3A_5, %scan3A_6 : i32
    %scan3A_8 = arith.constant 1 : i32
    scf.for %scan3A_147 = %scan3A_5 to %scan3A_7 step %scan3A_8  : i32 {
      %add3A_148 = arith.constant 0 : i32
      %add3A_149 = arith.addi %add3A_148, %scan3A_147 : i32
      %jit3A = arith.constant 8 : i32
      %div3A = arith.divsi %add3A_149, %jit3A : i32
      %sign3A = arith.constant 0 : i32
      %sign3A_150 = arith.cmpi sgt, %add3A_149, %sign3A : i32
      %sign3A_151 = arith.extui %sign3A_150 : i1 to i32
      %sign3A_152 = arith.constant 0 : i32
      %sign3A_153 = arith.cmpi slt, %add3A_149, %sign3A_152 : i32
      %sign3A_154 = arith.extui %sign3A_153 : i1 to i32
      %sign3A_155 = arith.subi %sign3A_151, %sign3A_154 : i32
      %sign3A_156 = arith.constant 0 : i32
      %sign3A_157 = arith.cmpi sgt, %jit3A, %sign3A_156 : i32
      %sign3A_158 = arith.extui %sign3A_157 : i1 to i32
      %sign3A_159 = arith.constant 0 : i32
      %sign3A_160 = arith.cmpi slt, %jit3A, %sign3A_159 : i32
      %sign3A_161 = arith.extui %sign3A_160 : i1 to i32
      %sign3A_162 = arith.subi %sign3A_158, %sign3A_161 : i32
      %ne3A = arith.cmpi ne, %sign3A_155, %sign3A_162 : i32
      %rem3A = arith.remsi %add3A_149, %jit3A : i32
      %ne3A_163 = arith.constant 0 : i32
      %ne3A_164 = arith.cmpi ne, %rem3A, %ne3A_163 : i32
      %and3A = arith.andi %ne3A, %ne3A_164 : i1
      %sub3A = arith.constant 1 : i32
      %sub3A_165 = arith.subi %div3A, %sub3A : i32
      %select_n3A = arith.select %and3A, %sub3A_165, %div3A : i32
      %jit3A_166 = arith.constant 8 : i32
      %eq3A = arith.constant 0 : i32
      %eq3A_167 = arith.cmpi eq, %jit3A_166, %eq3A : i32
      %jit3A_168 = arith.constant 1 : i32
      %select_n3A_169 = arith.select %eq3A_167, %jit3A_168, %jit3A_166 : i32
      %rem3A_170 = arith.remsi %add3A_149, %select_n3A_169 : i32
      %ne3A_171 = arith.constant 0 : i32
      %ne3A_172 = arith.cmpi ne, %rem3A_170, %ne3A_171 : i32
      %lt3A = arith.constant 0 : i32
      %lt3A_173 = arith.cmpi slt, %rem3A_170, %lt3A : i32
      %lt3A_174 = arith.constant 0 : i32
      %lt3A_175 = arith.cmpi slt, %select_n3A_169, %lt3A_174 : i32
      %ne3A_176 = arith.xori %lt3A_173, %lt3A_175 : i1
      %and3A_177 = arith.andi %ne3A_176, %ne3A_172 : i1
      %add3A_178 = arith.addi %rem3A_170, %select_n3A_169 : i32
      %select_n3A_179 = arith.select %and3A_177, %add3A_178, %rem3A_170 : i32
      %dma_start3A = arith.constant 0 : i32
      %dma_start3A_180 = arith.constant 0 : i32
      %dma_start3A_181 = arith.constant 0 : i32
      %dma_start3A_182 = tpu.memref_slice %arg8[%dma_start3A, %scan3A_147, %dma_start3A_181] : memref<4x25x128xi32, #tpu.memory_space<vmem>> -> memref<1x1x128xi32, #tpu.memory_space<vmem>>
      %dma_start3A_183 = tpu.memref_squeeze %dma_start3A_182 : memref<1x1x128xi32, #tpu.memory_space<vmem>> -> memref<128xi32, #tpu.memory_space<vmem>>
      %dma_start3A_184 = arith.constant 0 : i32
      %dma_start3A_185 = tpu.memref_slice %arg6[%select_n3A, %select_n3A_179, %dma_start3A_184] : memref<25x8x128xi32, #tpu.memory_space<vmem>> -> memref<1x1x128xi32, #tpu.memory_space<vmem>>
      %dma_start3A_186 = tpu.memref_squeeze %dma_start3A_185 : memref<1x1x128xi32, #tpu.memory_space<vmem>> -> memref<128xi32, #tpu.memory_space<vmem>>
      %dma_start3A_187 = arith.constant 0 : i32
      %dma_start3A_188 = tpu.memref_slice %arg3[%dma_start3A_187] : memref<1000000xi32, #tpu.memory_space<hbm>> -> memref<1000000xi32, #tpu.memory_space<hbm>>
      %dma_start3A_189 = tpu.memref_slice %arg10[%dma_start3A_180] : memref<4x!tpu.dma_semaphore, #tpu.memory_space<semaphore_mem>> -> memref<1x!tpu.dma_semaphore, #tpu.memory_space<semaphore_mem>>
      %dma_start3A_190 = tpu.memref_squeeze %dma_start3A_189 : memref<1x!tpu.dma_semaphore, #tpu.memory_space<semaphore_mem>> -> memref<!tpu.dma_semaphore, #tpu.memory_space<semaphore_mem>>
      tpu.enqueue_indirect_dma source(%dma_start3A_188 : memref<1000000xi32, #tpu.memory_space<hbm>>) target(%dma_start3A_183 : memref<128xi32, #tpu.memory_space<vmem>>) offsets(%dma_start3A_186 : memref<128xi32, #tpu.memory_space<vmem>>) semaphore(%dma_start3A_190 : memref<!tpu.dma_semaphore, #tpu.memory_space<semaphore_mem>>)
    }
    %scan3A_9 = arith.constant 25 : i32
    %scan3A_10 = arith.constant 0 : i32
    %scan3A_11 = arith.constant 0 : i32
    %scan3A_12 = arith.constant 25 : i32
    %scan3A_13 = arith.addi %scan3A_11, %scan3A_12 : i32
    %scan3A_14 = arith.constant 1 : i32
    scf.for %scan3A_147 = %scan3A_11 to %scan3A_13 step %scan3A_14  : i32 {
      %add3A_148 = arith.constant 25 : i32
      %add3A_149 = arith.addi %add3A_148, %scan3A_147 : i32
      %jit3A = arith.constant 8 : i32
      %div3A = arith.divsi %add3A_149, %jit3A : i32
      %sign3A = arith.constant 0 : i32
      %sign3A_150 = arith.cmpi sgt, %add3A_149, %sign3A : i32
      %sign3A_151 = arith.extui %sign3A_150 : i1 to i32
      %sign3A_152 = arith.constant 0 : i32
      %sign3A_153 = arith.cmpi slt, %add3A_149, %sign3A_152 : i32
      %sign3A_154 = arith.extui %sign3A_153 : i1 to i32
      %sign3A_155 = arith.subi %sign3A_151, %sign3A_154 : i32
      %sign3A_156 = arith.constant 0 : i32
      %sign3A_157 = arith.cmpi sgt, %jit3A, %sign3A_156 : i32
      %sign3A_158 = arith.extui %sign3A_157 : i1 to i32
      %sign3A_159 = arith.constant 0 : i32
      %sign3A_160 = arith.cmpi slt, %jit3A, %sign3A_159 : i32
      %sign3A_161 = arith.extui %sign3A_160 : i1 to i32
      %sign3A_162 = arith.subi %sign3A_158, %sign3A_161 : i32
      %ne3A = arith.cmpi ne, %sign3A_155, %sign3A_162 : i32
      %rem3A = arith.remsi %add3A_149, %jit3A : i32
      %ne3A_163 = arith.constant 0 : i32
      %ne3A_164 = arith.cmpi ne, %rem3A, %ne3A_163 : i32
      %and3A = arith.andi %ne3A, %ne3A_164 : i1
      %sub3A = arith.constant 1 : i32
      %sub3A_165 = arith.subi %div3A, %sub3A : i32
      %select_n3A = arith.select %and3A, %sub3A_165, %div3A : i32
      %jit3A_166 = arith.constant 8 : i32
      %eq3A = arith.constant 0 : i32
      %eq3A_167 = arith.cmpi eq, %jit3A_166, %eq3A : i32
      %jit3A_168 = arith.constant 1 : i32
      %select_n3A_169 = arith.select %eq3A_167, %jit3A_168, %jit3A_166 : i32
      %rem3A_170 = arith.remsi %add3A_149, %select_n3A_169 : i32
      %ne3A_171 = arith.constant 0 : i32
      %ne3A_172 = arith.cmpi ne, %rem3A_170, %ne3A_171 : i32
      %lt3A = arith.constant 0 : i32
      %lt3A_173 = arith.cmpi slt, %rem3A_170, %lt3A : i32
      %lt3A_174 = arith.constant 0 : i32
      %lt3A_175 = arith.cmpi slt, %select_n3A_169, %lt3A_174 : i32
      %ne3A_176 = arith.xori %lt3A_173, %lt3A_175 : i1
      %and3A_177 = arith.andi %ne3A_176, %ne3A_172 : i1
      %add3A_178 = arith.addi %rem3A_170, %select_n3A_169 : i32
      %select_n3A_179 = arith.select %and3A_177, %add3A_178, %rem3A_170 : i32
      %dma_start3A = arith.constant 1 : i32
      %dma_start3A_180 = arith.constant 1 : i32
      %dma_start3A_181 = arith.constant 0 : i32
      %dma_start3A_182 = tpu.memref_slice %arg8[%dma_start3A, %scan3A_147, %dma_start3A_181] : memref<4x25x128xi32, #tpu.memory_space<vmem>> -> memref<1x1x128xi32, #tpu.memory_space<vmem>>
      %dma_start3A_183 = tpu.memref_squeeze %dma_start3A_182 : memref<1x1x128xi32, #tpu.memory_space<vmem>> -> memref<128xi32, #tpu.memory_space<vmem>>
      %dma_start3A_184 = arith.constant 0 : i32
      %dma_start3A_185 = tpu.memref_slice %arg6[%select_n3A, %select_n3A_179, %dma_start3A_184] : memref<25x8x128xi32, #tpu.memory_space<vmem>> -> memref<1x1x128xi32, #tpu.memory_space<vmem>>
      %dma_start3A_186 = tpu.memref_squeeze %dma_start3A_185 : memref<1x1x128xi32, #tpu.memory_space<vmem>> -> memref<128xi32, #tpu.memory_space<vmem>>
      %dma_start3A_187 = arith.constant 0 : i32
      %dma_start3A_188 = tpu.memref_slice %arg3[%dma_start3A_187] : memref<1000000xi32, #tpu.memory_space<hbm>> -> memref<1000000xi32, #tpu.memory_space<hbm>>
      %dma_start3A_189 = tpu.memref_slice %arg10[%dma_start3A_180] : memref<4x!tpu.dma_semaphore, #tpu.memory_space<semaphore_mem>> -> memref<1x!tpu.dma_semaphore, #tpu.memory_space<semaphore_mem>>
      %dma_start3A_190 = tpu.memref_squeeze %dma_start3A_189 : memref<1x!tpu.dma_semaphore, #tpu.memory_space<semaphore_mem>> -> memref<!tpu.dma_semaphore, #tpu.memory_space<semaphore_mem>>
      tpu.enqueue_indirect_dma source(%dma_start3A_188 : memref<1000000xi32, #tpu.memory_space<hbm>>) target(%dma_start3A_183 : memref<128xi32, #tpu.memory_space<vmem>>) offsets(%dma_start3A_186 : memref<128xi32, #tpu.memory_space<vmem>>) semaphore(%dma_start3A_190 : memref<!tpu.dma_semaphore, #tpu.memory_space<semaphore_mem>>)
    }
    %scan3A_15 = arith.constant 25 : i32
    %scan3A_16 = arith.constant 0 : i32
    %scan3A_17 = arith.constant 0 : i32
    %scan3A_18 = arith.constant 25 : i32
    %scan3A_19 = arith.addi %scan3A_17, %scan3A_18 : i32
    %scan3A_20 = arith.constant 1 : i32
    scf.for %scan3A_147 = %scan3A_17 to %scan3A_19 step %scan3A_20  : i32 {
      %add3A_148 = arith.constant 50 : i32
      %add3A_149 = arith.addi %add3A_148, %scan3A_147 : i32
      %jit3A = arith.constant 8 : i32
      %div3A = arith.divsi %add3A_149, %jit3A : i32
      %sign3A = arith.constant 0 : i32
      %sign3A_150 = arith.cmpi sgt, %add3A_149, %sign3A : i32
      %sign3A_151 = arith.extui %sign3A_150 : i1 to i32
      %sign3A_152 = arith.constant 0 : i32
      %sign3A_153 = arith.cmpi slt, %add3A_149, %sign3A_152 : i32
      %sign3A_154 = arith.extui %sign3A_153 : i1 to i32
      %sign3A_155 = arith.subi %sign3A_151, %sign3A_154 : i32
      %sign3A_156 = arith.constant 0 : i32
      %sign3A_157 = arith.cmpi sgt, %jit3A, %sign3A_156 : i32
      %sign3A_158 = arith.extui %sign3A_157 : i1 to i32
      %sign3A_159 = arith.constant 0 : i32
      %sign3A_160 = arith.cmpi slt, %jit3A, %sign3A_159 : i32
      %sign3A_161 = arith.extui %sign3A_160 : i1 to i32
      %sign3A_162 = arith.subi %sign3A_158, %sign3A_161 : i32
      %ne3A = arith.cmpi ne, %sign3A_155, %sign3A_162 : i32
      %rem3A = arith.remsi %add3A_149, %jit3A : i32
      %ne3A_163 = arith.constant 0 : i32
      %ne3A_164 = arith.cmpi ne, %rem3A, %ne3A_163 : i32
      %and3A = arith.andi %ne3A, %ne3A_164 : i1
      %sub3A = arith.constant 1 : i32
      %sub3A_165 = arith.subi %div3A, %sub3A : i32
      %select_n3A = arith.select %and3A, %sub3A_165, %div3A : i32
      %jit3A_166 = arith.constant 8 : i32
      %eq3A = arith.constant 0 : i32
      %eq3A_167 = arith.cmpi eq, %jit3A_166, %eq3A : i32
      %jit3A_168 = arith.constant 1 : i32
      %select_n3A_169 = arith.select %eq3A_167, %jit3A_168, %jit3A_166 : i32
      %rem3A_170 = arith.remsi %add3A_149, %select_n3A_169 : i32
      %ne3A_171 = arith.constant 0 : i32
      %ne3A_172 = arith.cmpi ne, %rem3A_170, %ne3A_171 : i32
      %lt3A = arith.constant 0 : i32
      %lt3A_173 = arith.cmpi slt, %rem3A_170, %lt3A : i32
      %lt3A_174 = arith.constant 0 : i32
      %lt3A_175 = arith.cmpi slt, %select_n3A_169, %lt3A_174 : i32
      %ne3A_176 = arith.xori %lt3A_173, %lt3A_175 : i1
      %and3A_177 = arith.andi %ne3A_176, %ne3A_172 : i1
      %add3A_178 = arith.addi %rem3A_170, %select_n3A_169 : i32
      %select_n3A_179 = arith.select %and3A_177, %add3A_178, %rem3A_170 : i32
      %dma_start3A = arith.constant 2 : i32
      %dma_start3A_180 = arith.constant 2 : i32
      %dma_start3A_181 = arith.constant 0 : i32
      %dma_start3A_182 = tpu.memref_slice %arg8[%dma_start3A, %scan3A_147, %dma_start3A_181] : memref<4x25x128xi32, #tpu.memory_space<vmem>> -> memref<1x1x128xi32, #tpu.memory_space<vmem>>
      %dma_start3A_183 = tpu.memref_squeeze %dma_start3A_182 : memref<1x1x128xi32, #tpu.memory_space<vmem>> -> memref<128xi32, #tpu.memory_space<vmem>>
      %dma_start3A_184 = arith.constant 0 : i32
      %dma_start3A_185 = tpu.memref_slice %arg6[%select_n3A, %select_n3A_179, %dma_start3A_184] : memref<25x8x128xi32, #tpu.memory_space<vmem>> -> memref<1x1x128xi32, #tpu.memory_space<vmem>>
      %dma_start3A_186 = tpu.memref_squeeze %dma_start3A_185 : memref<1x1x128xi32, #tpu.memory_space<vmem>> -> memref<128xi32, #tpu.memory_space<vmem>>
      %dma_start3A_187 = arith.constant 0 : i32
      %dma_start3A_188 = tpu.memref_slice %arg3[%dma_start3A_187] : memref<1000000xi32, #tpu.memory_space<hbm>> -> memref<1000000xi32, #tpu.memory_space<hbm>>
      %dma_start3A_189 = tpu.memref_slice %arg10[%dma_start3A_180] : memref<4x!tpu.dma_semaphore, #tpu.memory_space<semaphore_mem>> -> memref<1x!tpu.dma_semaphore, #tpu.memory_space<semaphore_mem>>
      %dma_start3A_190 = tpu.memref_squeeze %dma_start3A_189 : memref<1x!tpu.dma_semaphore, #tpu.memory_space<semaphore_mem>> -> memref<!tpu.dma_semaphore, #tpu.memory_space<semaphore_mem>>
      tpu.enqueue_indirect_dma source(%dma_start3A_188 : memref<1000000xi32, #tpu.memory_space<hbm>>) target(%dma_start3A_183 : memref<128xi32, #tpu.memory_space<vmem>>) offsets(%dma_start3A_186 : memref<128xi32, #tpu.memory_space<vmem>>) semaphore(%dma_start3A_190 : memref<!tpu.dma_semaphore, #tpu.memory_space<semaphore_mem>>)
    }
    %scan3A_21 = arith.constant 25 : i32
    %broadcast_in_dim3A = arith.constant 0.000000e+00 : f32
    %broadcast_in_dim3A_22 = vector.broadcast %broadcast_in_dim3A : f32 to vector<16xf32>
    %scan3A_23 = arith.constant 0 : i32
    %scan3A_24 = arith.constant 8 : i32
    %scan3A_25 = arith.addi %scan3A_23, %scan3A_24 : i32
    %scan3A_26 = arith.constant 1 : i32
    %scan3A_27:16 = scf.for %scan3A_147 = %scan3A_23 to %scan3A_25 step %scan3A_26 iter_args(%scan3A_148 = %broadcast_in_dim3A_22, %scan3A_149 = %broadcast_in_dim3A_22, %scan3A_150 = %broadcast_in_dim3A_22, %scan3A_151 = %broadcast_in_dim3A_22, %scan3A_152 = %broadcast_in_dim3A_22, %scan3A_153 = %broadcast_in_dim3A_22, %scan3A_154 = %broadcast_in_dim3A_22, %scan3A_155 = %broadcast_in_dim3A_22, %scan3A_156 = %broadcast_in_dim3A_22, %scan3A_157 = %broadcast_in_dim3A_22, %scan3A_158 = %broadcast_in_dim3A_22, %scan3A_159 = %broadcast_in_dim3A_22, %scan3A_160 = %broadcast_in_dim3A_22, %scan3A_161 = %broadcast_in_dim3A_22, %scan3A_162 = %broadcast_in_dim3A_22, %scan3A_163 = %broadcast_in_dim3A_22) -> (vector<16xf32>, vector<16xf32>, vector<16xf32>, vector<16xf32>, vector<16xf32>, vector<16xf32>, vector<16xf32>, vector<16xf32>, vector<16xf32>, vector<16xf32>, vector<16xf32>, vector<16xf32>, vector<16xf32>, vector<16xf32>, vector<16xf32>, vector<16xf32>)  : i32 {
      %rem3A = arith.constant 4 : i32
      %rem3A_164 = arith.remsi %scan3A_147, %rem3A : i32
      %add3A_165 = arith.constant 3 : i32
      %add3A_166 = arith.addi %scan3A_147, %add3A_165 : i32
      %lt3A = arith.constant 8 : i32
      %lt3A_167 = arith.cmpi slt, %add3A_166, %lt3A : i32
      %convert_element_type3A = arith.extui %lt3A_167 : i1 to i32
      %cond3A = arith.constant 0 : i32
      %cond3A_168 = arith.cmpi ne, %convert_element_type3A, %cond3A : i32
      scf.if %cond3A_168 {
        %add3A_183 = arith.constant 3 : i32
        %add3A_184 = arith.addi %scan3A_147, %add3A_183 : i32
        %add3A_185 = arith.constant 3 : i32
        %add3A_186 = arith.addi %scan3A_147, %add3A_185 : i32
        %rem3A_187 = arith.constant 4 : i32
        %rem3A_188 = arith.remsi %add3A_186, %rem3A_187 : i32
        %scan3A_189 = arith.constant 0 : i32
        %scan3A_190 = arith.constant 0 : i32
        %scan3A_191 = arith.constant 25 : i32
        %scan3A_192 = arith.addi %scan3A_190, %scan3A_191 : i32
        %scan3A_193 = arith.constant 1 : i32
        scf.for %scan3A_195 = %scan3A_190 to %scan3A_192 step %scan3A_193  : i32 {
          %mul3A_196 = arith.constant 25 : i32
          %mul3A_197 = arith.muli %add3A_184, %mul3A_196 : i32
          %add3A_198 = arith.addi %mul3A_197, %scan3A_195 : i32
          %jit3A = arith.constant 8 : i32
          %div3A = arith.divsi %add3A_198, %jit3A : i32
          %sign3A = arith.constant 0 : i32
          %sign3A_199 = arith.cmpi sgt, %add3A_198, %sign3A : i32
          %sign3A_200 = arith.extui %sign3A_199 : i1 to i32
          %sign3A_201 = arith.constant 0 : i32
          %sign3A_202 = arith.cmpi slt, %add3A_198, %sign3A_201 : i32
          %sign3A_203 = arith.extui %sign3A_202 : i1 to i32
          %sign3A_204 = arith.subi %sign3A_200, %sign3A_203 : i32
          %sign3A_205 = arith.constant 0 : i32
          %sign3A_206 = arith.cmpi sgt, %jit3A, %sign3A_205 : i32
          %sign3A_207 = arith.extui %sign3A_206 : i1 to i32
          %sign3A_208 = arith.constant 0 : i32
          %sign3A_209 = arith.cmpi slt, %jit3A, %sign3A_208 : i32
          %sign3A_210 = arith.extui %sign3A_209 : i1 to i32
          %sign3A_211 = arith.subi %sign3A_207, %sign3A_210 : i32
          %ne3A = arith.cmpi ne, %sign3A_204, %sign3A_211 : i32
          %rem3A_212 = arith.remsi %add3A_198, %jit3A : i32
          %ne3A_213 = arith.constant 0 : i32
          %ne3A_214 = arith.cmpi ne, %rem3A_212, %ne3A_213 : i32
          %and3A = arith.andi %ne3A, %ne3A_214 : i1
          %sub3A = arith.constant 1 : i32
          %sub3A_215 = arith.subi %div3A, %sub3A : i32
          %select_n3A = arith.select %and3A, %sub3A_215, %div3A : i32
          %jit3A_216 = arith.constant 8 : i32
          %eq3A = arith.constant 0 : i32
          %eq3A_217 = arith.cmpi eq, %jit3A_216, %eq3A : i32
          %jit3A_218 = arith.constant 1 : i32
          %select_n3A_219 = arith.select %eq3A_217, %jit3A_218, %jit3A_216 : i32
          %rem3A_220 = arith.remsi %add3A_198, %select_n3A_219 : i32
          %ne3A_221 = arith.constant 0 : i32
          %ne3A_222 = arith.cmpi ne, %rem3A_220, %ne3A_221 : i32
          %lt3A_223 = arith.constant 0 : i32
          %lt3A_224 = arith.cmpi slt, %rem3A_220, %lt3A_223 : i32
          %lt3A_225 = arith.constant 0 : i32
          %lt3A_226 = arith.cmpi slt, %select_n3A_219, %lt3A_225 : i32
          %ne3A_227 = arith.xori %lt3A_224, %lt3A_226 : i1
          %and3A_228 = arith.andi %ne3A_227, %ne3A_222 : i1
          %add3A_229 = arith.addi %rem3A_220, %select_n3A_219 : i32
          %select_n3A_230 = arith.select %and3A_228, %add3A_229, %rem3A_220 : i32
          %dma_start3A = arith.constant 0 : i32
          %dma_start3A_231 = tpu.memref_slice %arg8[%rem3A_188, %scan3A_195, %dma_start3A] : memref<4x25x128xi32, #tpu.memory_space<vmem>> -> memref<1x1x128xi32, #tpu.memory_space<vmem>>
          %dma_start3A_232 = tpu.memref_squeeze %dma_start3A_231 : memref<1x1x128xi32, #tpu.memory_space<vmem>> -> memref<128xi32, #tpu.memory_space<vmem>>
          %dma_start3A_233 = arith.constant 0 : i32
          %dma_start3A_234 = tpu.memref_slice %arg6[%select_n3A, %select_n3A_230, %dma_start3A_233] : memref<25x8x128xi32, #tpu.memory_space<vmem>> -> memref<1x1x128xi32, #tpu.memory_space<vmem>>
          %dma_start3A_235 = tpu.memref_squeeze %dma_start3A_234 : memref<1x1x128xi32, #tpu.memory_space<vmem>> -> memref<128xi32, #tpu.memory_space<vmem>>
          %dma_start3A_236 = arith.constant 0 : i32
          %dma_start3A_237 = tpu.memref_slice %arg3[%dma_start3A_236] : memref<1000000xi32, #tpu.memory_space<hbm>> -> memref<1000000xi32, #tpu.memory_space<hbm>>
          %dma_start3A_238 = tpu.memref_slice %arg10[%rem3A_188] : memref<4x!tpu.dma_semaphore, #tpu.memory_space<semaphore_mem>> -> memref<1x!tpu.dma_semaphore, #tpu.memory_space<semaphore_mem>>
          %dma_start3A_239 = tpu.memref_squeeze %dma_start3A_238 : memref<1x!tpu.dma_semaphore, #tpu.memory_space<semaphore_mem>> -> memref<!tpu.dma_semaphore, #tpu.memory_space<semaphore_mem>>
          tpu.enqueue_indirect_dma source(%dma_start3A_237 : memref<1000000xi32, #tpu.memory_space<hbm>>) target(%dma_start3A_232 : memref<128xi32, #tpu.memory_space<vmem>>) offsets(%dma_start3A_235 : memref<128xi32, #tpu.memory_space<vmem>>) semaphore(%dma_start3A_239 : memref<!tpu.dma_semaphore, #tpu.memory_space<semaphore_mem>>)
        }
        %scan3A_194 = arith.constant 25 : i32
      } else {
      }
      %scan3A_169 = arith.constant 0 : i32
      %scan3A_170 = arith.constant 0 : i32
      %scan3A_171 = arith.constant 25 : i32
      %scan3A_172 = arith.addi %scan3A_170, %scan3A_171 : i32
      %scan3A_173 = arith.constant 1 : i32
      scf.for %scan3A_183 = %scan3A_170 to %scan3A_172 step %scan3A_173  : i32 {
        %mul3A_184 = arith.constant 25 : i32
        %mul3A_185 = arith.muli %scan3A_147, %mul3A_184 : i32
        %add3A_186 = arith.addi %mul3A_185, %scan3A_183 : i32
        %jit3A = arith.constant 8 : i32
        %div3A = arith.divsi %add3A_186, %jit3A : i32
        %sign3A = arith.constant 0 : i32
        %sign3A_187 = arith.cmpi sgt, %add3A_186, %sign3A : i32
        %sign3A_188 = arith.extui %sign3A_187 : i1 to i32
        %sign3A_189 = arith.constant 0 : i32
        %sign3A_190 = arith.cmpi slt, %add3A_186, %sign3A_189 : i32
        %sign3A_191 = arith.extui %sign3A_190 : i1 to i32
        %sign3A_192 = arith.subi %sign3A_188, %sign3A_191 : i32
        %sign3A_193 = arith.constant 0 : i32
        %sign3A_194 = arith.cmpi sgt, %jit3A, %sign3A_193 : i32
        %sign3A_195 = arith.extui %sign3A_194 : i1 to i32
        %sign3A_196 = arith.constant 0 : i32
        %sign3A_197 = arith.cmpi slt, %jit3A, %sign3A_196 : i32
        %sign3A_198 = arith.extui %sign3A_197 : i1 to i32
        %sign3A_199 = arith.subi %sign3A_195, %sign3A_198 : i32
        %ne3A = arith.cmpi ne, %sign3A_192, %sign3A_199 : i32
        %rem3A_200 = arith.remsi %add3A_186, %jit3A : i32
        %ne3A_201 = arith.constant 0 : i32
        %ne3A_202 = arith.cmpi ne, %rem3A_200, %ne3A_201 : i32
        %and3A = arith.andi %ne3A, %ne3A_202 : i1
        %sub3A = arith.constant 1 : i32
        %sub3A_203 = arith.subi %div3A, %sub3A : i32
        %select_n3A = arith.select %and3A, %sub3A_203, %div3A : i32
        %jit3A_204 = arith.constant 8 : i32
        %eq3A = arith.constant 0 : i32
        %eq3A_205 = arith.cmpi eq, %jit3A_204, %eq3A : i32
        %jit3A_206 = arith.constant 1 : i32
        %select_n3A_207 = arith.select %eq3A_205, %jit3A_206, %jit3A_204 : i32
        %rem3A_208 = arith.remsi %add3A_186, %select_n3A_207 : i32
        %ne3A_209 = arith.constant 0 : i32
        %ne3A_210 = arith.cmpi ne, %rem3A_208, %ne3A_209 : i32
        %lt3A_211 = arith.constant 0 : i32
        %lt3A_212 = arith.cmpi slt, %rem3A_208, %lt3A_211 : i32
        %lt3A_213 = arith.constant 0 : i32
        %lt3A_214 = arith.cmpi slt, %select_n3A_207, %lt3A_213 : i32
        %ne3A_215 = arith.xori %lt3A_212, %lt3A_214 : i1
        %and3A_216 = arith.andi %ne3A_215, %ne3A_210 : i1
        %add3A_217 = arith.addi %rem3A_208, %select_n3A_207 : i32
        %select_n3A_218 = arith.select %and3A_216, %add3A_217, %rem3A_208 : i32
        %dma_wait3A = arith.constant 0 : i32
        %dma_wait3A_219 = tpu.memref_slice %arg8[%rem3A_164, %scan3A_183, %dma_wait3A] : memref<4x25x128xi32, #tpu.memory_space<vmem>> -> memref<1x1x128xi32, #tpu.memory_space<vmem>>
        %dma_wait3A_220 = tpu.memref_squeeze %dma_wait3A_219 : memref<1x1x128xi32, #tpu.memory_space<vmem>> -> memref<128xi32, #tpu.memory_space<vmem>>
        %dma_wait3A_221 = arith.constant 0 : i32
        %dma_wait3A_222 = tpu.memref_slice %arg6[%select_n3A, %select_n3A_218, %dma_wait3A_221] : memref<25x8x128xi32, #tpu.memory_space<vmem>> -> memref<1x1x128xi32, #tpu.memory_space<vmem>>
        %dma_wait3A_223 = tpu.memref_squeeze %dma_wait3A_222 : memref<1x1x128xi32, #tpu.memory_space<vmem>> -> memref<128xi32, #tpu.memory_space<vmem>>
        %dma_wait3A_224 = arith.constant 0 : i32
        %dma_wait3A_225 = tpu.memref_slice %arg3[%dma_wait3A_224] : memref<1000000xi32, #tpu.memory_space<hbm>> -> memref<1000000xi32, #tpu.memory_space<hbm>>
        %dma_wait3A_226 = tpu.memref_slice %arg10[%rem3A_164] : memref<4x!tpu.dma_semaphore, #tpu.memory_space<semaphore_mem>> -> memref<1x!tpu.dma_semaphore, #tpu.memory_space<semaphore_mem>>
        %dma_wait3A_227 = tpu.memref_squeeze %dma_wait3A_226 : memref<1x!tpu.dma_semaphore, #tpu.memory_space<semaphore_mem>> -> memref<!tpu.dma_semaphore, #tpu.memory_space<semaphore_mem>>
        tpu.wait_indirect_dma semaphore(%dma_wait3A_227 : memref<!tpu.dma_semaphore, #tpu.memory_space<semaphore_mem>>) src(%dma_wait3A_225 : memref<1000000xi32, #tpu.memory_space<hbm>>) dst(%dma_wait3A_220 : memref<128xi32, #tpu.memory_space<vmem>>)
      }
      %scan3A_174 = arith.constant 25 : i32
      %broadcast_in_dim3A_175 = arith.constant -65536 : i32
      %broadcast_in_dim3A_176 = vector.broadcast %broadcast_in_dim3A_175 : i32 to vector<16xi32>
      %scan3A_177 = arith.constant 0 : i32
      %scan3A_178 = arith.constant 25 : i32
      %scan3A_179 = arith.addi %scan3A_177, %scan3A_178 : i32
      %scan3A_180 = arith.constant 1 : i32
      %scan3A_181:16 = scf.for %scan3A_183 = %scan3A_177 to %scan3A_179 step %scan3A_180 iter_args(%scan3A_184 = %scan3A_148, %scan3A_185 = %scan3A_149, %scan3A_186 = %scan3A_150, %scan3A_187 = %scan3A_151, %scan3A_188 = %scan3A_152, %scan3A_189 = %scan3A_153, %scan3A_190 = %scan3A_154, %scan3A_191 = %scan3A_155, %scan3A_192 = %scan3A_156, %scan3A_193 = %scan3A_157, %scan3A_194 = %scan3A_158, %scan3A_195 = %scan3A_159, %scan3A_196 = %scan3A_160, %scan3A_197 = %scan3A_161, %scan3A_198 = %scan3A_162, %scan3A_199 = %scan3A_163) -> (vector<16xf32>, vector<16xf32>, vector<16xf32>, vector<16xf32>, vector<16xf32>, vector<16xf32>, vector<16xf32>, vector<16xf32>, vector<16xf32>, vector<16xf32>, vector<16xf32>, vector<16xf32>, vector<16xf32>, vector<16xf32>, vector<16xf32>, vector<16xf32>)  : i32 {
        %get3A_200 = arith.index_cast %rem3A_164 : i32 to index
        %get3A_201 = arith.index_cast %scan3A_183 : i32 to index
        %get3A_202 = arith.constant 0 : index
        %get3A_203 = tpu.vector_load %arg8[%get3A_200, %get3A_201, %get3A_202] {strides = array<i32>} : memref<4x25x128xi32, #tpu.memory_space<vmem>>, vector<1x1x16xi32>,
        %get3A_204 = vector.shape_cast %get3A_203 : vector<1x1x16xi32> to vector<16xi32>
        %shift_left3A = arith.constant 16 : i32
        %shift_left3A_205 = vector.broadcast %shift_left3A : i32 to vector<16xi32>
        %shift_left3A_206 = arith.shli %get3A_204, %shift_left3A_205 : vector<16xi32>
        %bitcast_convert_type3A = tpu.bitcast %shift_left3A_206 : vector<16xi32> -> vector<16xf32>
        %and3A = arith.andi %get3A_204, %broadcast_in_dim3A_176 : vector<16xi32>
        %bitcast_convert_type3A_207 = tpu.bitcast %and3A : vector<16xi32> -> vector<16xf32>
        %add3A_208 = arith.addf %scan3A_184, %bitcast_convert_type3A : vector<16xf32>
        %add3A_209 = arith.addf %scan3A_192, %bitcast_convert_type3A_207 : vector<16xf32>
        %get3A_210 = arith.index_cast %rem3A_164 : i32 to index
        %get3A_211 = arith.index_cast %scan3A_183 : i32 to index
        %get3A_212 = arith.constant 16 : index
        %get3A_213 = tpu.vector_load %arg8[%get3A_210, %get3A_211, %get3A_212] {strides = array<i32>} : memref<4x25x128xi32, #tpu.memory_space<vmem>>, vector<1x1x16xi32>,
        %get3A_214 = vector.shape_cast %get3A_213 : vector<1x1x16xi32> to vector<16xi32>
        %shift_left3A_215 = arith.constant 16 : i32
        %shift_left3A_216 = vector.broadcast %shift_left3A_215 : i32 to vector<16xi32>
        %shift_left3A_217 = arith.shli %get3A_214, %shift_left3A_216 : vector<16xi32>
        %bitcast_convert_type3A_218 = tpu.bitcast %shift_left3A_217 : vector<16xi32> -> vector<16xf32>
        %and3A_219 = arith.andi %get3A_214, %broadcast_in_dim3A_176 : vector<16xi32>
        %bitcast_convert_type3A_220 = tpu.bitcast %and3A_219 : vector<16xi32> -> vector<16xf32>
        %add3A_221 = arith.addf %scan3A_185, %bitcast_convert_type3A_218 : vector<16xf32>
        %add3A_222 = arith.addf %scan3A_193, %bitcast_convert_type3A_220 : vector<16xf32>
        %get3A_223 = arith.index_cast %rem3A_164 : i32 to index
        %get3A_224 = arith.index_cast %scan3A_183 : i32 to index
        %get3A_225 = arith.constant 32 : index
        %get3A_226 = tpu.vector_load %arg8[%get3A_223, %get3A_224, %get3A_225] {strides = array<i32>} : memref<4x25x128xi32, #tpu.memory_space<vmem>>, vector<1x1x16xi32>,
        %get3A_227 = vector.shape_cast %get3A_226 : vector<1x1x16xi32> to vector<16xi32>
        %shift_left3A_228 = arith.constant 16 : i32
        %shift_left3A_229 = vector.broadcast %shift_left3A_228 : i32 to vector<16xi32>
        %shift_left3A_230 = arith.shli %get3A_227, %shift_left3A_229 : vector<16xi32>
        %bitcast_convert_type3A_231 = tpu.bitcast %shift_left3A_230 : vector<16xi32> -> vector<16xf32>
        %and3A_232 = arith.andi %get3A_227, %broadcast_in_dim3A_176 : vector<16xi32>
        %bitcast_convert_type3A_233 = tpu.bitcast %and3A_232 : vector<16xi32> -> vector<16xf32>
        %add3A_234 = arith.addf %scan3A_186, %bitcast_convert_type3A_231 : vector<16xf32>
        %add3A_235 = arith.addf %scan3A_194, %bitcast_convert_type3A_233 : vector<16xf32>
        %get3A_236 = arith.index_cast %rem3A_164 : i32 to index
        %get3A_237 = arith.index_cast %scan3A_183 : i32 to index
        %get3A_238 = arith.constant 48 : index
        %get3A_239 = tpu.vector_load %arg8[%get3A_236, %get3A_237, %get3A_238] {strides = array<i32>} : memref<4x25x128xi32, #tpu.memory_space<vmem>>, vector<1x1x16xi32>,
        %get3A_240 = vector.shape_cast %get3A_239 : vector<1x1x16xi32> to vector<16xi32>
        %shift_left3A_241 = arith.constant 16 : i32
        %shift_left3A_242 = vector.broadcast %shift_left3A_241 : i32 to vector<16xi32>
        %shift_left3A_243 = arith.shli %get3A_240, %shift_left3A_242 : vector<16xi32>
        %bitcast_convert_type3A_244 = tpu.bitcast %shift_left3A_243 : vector<16xi32> -> vector<16xf32>
        %and3A_245 = arith.andi %get3A_240, %broadcast_in_dim3A_176 : vector<16xi32>
        %bitcast_convert_type3A_246 = tpu.bitcast %and3A_245 : vector<16xi32> -> vector<16xf32>
        %add3A_247 = arith.addf %scan3A_187, %bitcast_convert_type3A_244 : vector<16xf32>
        %add3A_248 = arith.addf %scan3A_195, %bitcast_convert_type3A_246 : vector<16xf32>
        %get3A_249 = arith.index_cast %rem3A_164 : i32 to index
        %get3A_250 = arith.index_cast %scan3A_183 : i32 to index
        %get3A_251 = arith.constant 64 : index
        %get3A_252 = tpu.vector_load %arg8[%get3A_249, %get3A_250, %get3A_251] {strides = array<i32>} : memref<4x25x128xi32, #tpu.memory_space<vmem>>, vector<1x1x16xi32>,
        %get3A_253 = vector.shape_cast %get3A_252 : vector<1x1x16xi32> to vector<16xi32>
        %shift_left3A_254 = arith.constant 16 : i32
        %shift_left3A_255 = vector.broadcast %shift_left3A_254 : i32 to vector<16xi32>
        %shift_left3A_256 = arith.shli %get3A_253, %shift_left3A_255 : vector<16xi32>
        %bitcast_convert_type3A_257 = tpu.bitcast %shift_left3A_256 : vector<16xi32> -> vector<16xf32>
        %and3A_258 = arith.andi %get3A_253, %broadcast_in_dim3A_176 : vector<16xi32>
        %bitcast_convert_type3A_259 = tpu.bitcast %and3A_258 : vector<16xi32> -> vector<16xf32>
        %add3A_260 = arith.addf %scan3A_188, %bitcast_convert_type3A_257 : vector<16xf32>
        %add3A_261 = arith.addf %scan3A_196, %bitcast_convert_type3A_259 : vector<16xf32>
        %get3A_262 = arith.index_cast %rem3A_164 : i32 to index
        %get3A_263 = arith.index_cast %scan3A_183 : i32 to index
        %get3A_264 = arith.constant 80 : index
        %get3A_265 = tpu.vector_load %arg8[%get3A_262, %get3A_263, %get3A_264] {strides = array<i32>} : memref<4x25x128xi32, #tpu.memory_space<vmem>>, vector<1x1x16xi32>,
        %get3A_266 = vector.shape_cast %get3A_265 : vector<1x1x16xi32> to vector<16xi32>
        %shift_left3A_267 = arith.constant 16 : i32
        %shift_left3A_268 = vector.broadcast %shift_left3A_267 : i32 to vector<16xi32>
        %shift_left3A_269 = arith.shli %get3A_266, %shift_left3A_268 : vector<16xi32>
        %bitcast_convert_type3A_270 = tpu.bitcast %shift_left3A_269 : vector<16xi32> -> vector<16xf32>
        %and3A_271 = arith.andi %get3A_266, %broadcast_in_dim3A_176 : vector<16xi32>
        %bitcast_convert_type3A_272 = tpu.bitcast %and3A_271 : vector<16xi32> -> vector<16xf32>
        %add3A_273 = arith.addf %scan3A_189, %bitcast_convert_type3A_270 : vector<16xf32>
        %add3A_274 = arith.addf %scan3A_197, %bitcast_convert_type3A_272 : vector<16xf32>
        %get3A_275 = arith.index_cast %rem3A_164 : i32 to index
        %get3A_276 = arith.index_cast %scan3A_183 : i32 to index
        %get3A_277 = arith.constant 96 : index
        %get3A_278 = tpu.vector_load %arg8[%get3A_275, %get3A_276, %get3A_277] {strides = array<i32>} : memref<4x25x128xi32, #tpu.memory_space<vmem>>, vector<1x1x16xi32>,
        %get3A_279 = vector.shape_cast %get3A_278 : vector<1x1x16xi32> to vector<16xi32>
        %shift_left3A_280 = arith.constant 16 : i32
        %shift_left3A_281 = vector.broadcast %shift_left3A_280 : i32 to vector<16xi32>
        %shift_left3A_282 = arith.shli %get3A_279, %shift_left3A_281 : vector<16xi32>
        %bitcast_convert_type3A_283 = tpu.bitcast %shift_left3A_282 : vector<16xi32> -> vector<16xf32>
        %and3A_284 = arith.andi %get3A_279, %broadcast_in_dim3A_176 : vector<16xi32>
        %bitcast_convert_type3A_285 = tpu.bitcast %and3A_284 : vector<16xi32> -> vector<16xf32>
        %add3A_286 = arith.addf %scan3A_190, %bitcast_convert_type3A_283 : vector<16xf32>
        %add3A_287 = arith.addf %scan3A_198, %bitcast_convert_type3A_285 : vector<16xf32>
        %get3A_288 = arith.index_cast %rem3A_164 : i32 to index
        %get3A_289 = arith.index_cast %scan3A_183 : i32 to index
        %get3A_290 = arith.constant 112 : index
        %get3A_291 = tpu.vector_load %arg8[%get3A_288, %get3A_289, %get3A_290] {strides = array<i32>} : memref<4x25x128xi32, #tpu.memory_space<vmem>>, vector<1x1x16xi32>,
        %get3A_292 = vector.shape_cast %get3A_291 : vector<1x1x16xi32> to vector<16xi32>
        %shift_left3A_293 = arith.constant 16 : i32
        %shift_left3A_294 = vector.broadcast %shift_left3A_293 : i32 to vector<16xi32>
        %shift_left3A_295 = arith.shli %get3A_292, %shift_left3A_294 : vector<16xi32>
        %bitcast_convert_type3A_296 = tpu.bitcast %shift_left3A_295 : vector<16xi32> -> vector<16xf32>
        %and3A_297 = arith.andi %get3A_292, %broadcast_in_dim3A_176 : vector<16xi32>
        %bitcast_convert_type3A_298 = tpu.bitcast %and3A_297 : vector<16xi32> -> vector<16xf32>
        %add3A_299 = arith.addf %scan3A_191, %bitcast_convert_type3A_296 : vector<16xf32>
        %add3A_300 = arith.addf %scan3A_199, %bitcast_convert_type3A_298 : vector<16xf32>
        scf.yield %add3A_208, %add3A_221, %add3A_234, %add3A_247, %add3A_260, %add3A_273, %add3A_286, %add3A_299, %add3A_209, %add3A_222, %add3A_235, %add3A_248, %add3A_261, %add3A_274, %add3A_287, %add3A_300 : vector<16xf32>, vector<16xf32>, vector<16xf32>, vector<16xf32>, vector<16xf32>, vector<16xf32>, vector<16xf32>, vector<16xf32>, vector<16xf32>, vector<16xf32>, vector<16xf32>, vector<16xf32>, vector<16xf32>, vector<16xf32>, vector<16xf32>, vector<16xf32>
      }
      %scan3A_182 = arith.constant 25 : i32
      scf.yield %scan3A_181#0, %scan3A_181#1, %scan3A_181#2, %scan3A_181#3, %scan3A_181#4, %scan3A_181#5, %scan3A_181#6, %scan3A_181#7, %scan3A_181#8, %scan3A_181#9, %scan3A_181#10, %scan3A_181#11, %scan3A_181#12, %scan3A_181#13, %scan3A_181#14, %scan3A_181#15 : vector<16xf32>, vector<16xf32>, vector<16xf32>, vector<16xf32>, vector<16xf32>, vector<16xf32>, vector<16xf32>, vector<16xf32>, vector<16xf32>, vector<16xf32>, vector<16xf32>, vector<16xf32>, vector<16xf32>, vector<16xf32>, vector<16xf32>, vector<16xf32>
    }
    %scan3A_28 = arith.constant 8 : i32
    %slice3A = vector.extract_strided_slice %get3A_4 {offsets = [0], sizes = [1], strides = [1]} : vector<16xf32> to vector<1xf32>
    %squeeze3A = vector.extract %slice3A[0] : f32 from vector<1xf32>
    %broadcast_in_dim3A_29 = vector.broadcast %squeeze3A : f32 to vector<16xf32>
    %add3A_30 = arith.addf %scan3A_27#0, %broadcast_in_dim3A_29 : vector<16xf32>
    %swap3A = arith.constant 0 : i32
    %swap3A_31 = arith.index_cast %swap3A : i32 to index
    %swap3A_32 = arith.constant 0 : index
    %swap3A_33 = tpu.vector_load %arg9[%swap3A_31, %swap3A_32] {strides = array<i32>} : memref<2x128xf32, #tpu.memory_space<vmem>>, vector<1x16xf32>,
    %swap3A_34 = vector.shape_cast %swap3A_33 : vector<1x16xf32> to vector<16xf32>
    %swap3A_35 = vector.shape_cast %add3A_30 : vector<16xf32> to vector<1x16xf32>
    tpu.vector_store %arg9[%swap3A_31, %swap3A_32], %swap3A_35 {strides = array<i32>} : memref<2x128xf32, #tpu.memory_space<vmem>>, vector<1x16xf32>,
    %add3A_36 = arith.addf %scan3A_27#1, %broadcast_in_dim3A_29 : vector<16xf32>
    %swap3A_37 = arith.constant 0 : i32
    %swap3A_38 = arith.index_cast %swap3A_37 : i32 to index
    %swap3A_39 = arith.constant 16 : index
    %swap3A_40 = tpu.vector_load %arg9[%swap3A_38, %swap3A_39] {strides = array<i32>} : memref<2x128xf32, #tpu.memory_space<vmem>>, vector<1x16xf32>,
    %swap3A_41 = vector.shape_cast %swap3A_40 : vector<1x16xf32> to vector<16xf32>
    %swap3A_42 = vector.shape_cast %add3A_36 : vector<16xf32> to vector<1x16xf32>
    tpu.vector_store %arg9[%swap3A_38, %swap3A_39], %swap3A_42 {strides = array<i32>} : memref<2x128xf32, #tpu.memory_space<vmem>>, vector<1x16xf32>,
    %add3A_43 = arith.addf %scan3A_27#2, %broadcast_in_dim3A_29 : vector<16xf32>
    %swap3A_44 = arith.constant 0 : i32
    %swap3A_45 = arith.index_cast %swap3A_44 : i32 to index
    %swap3A_46 = arith.constant 32 : index
    %swap3A_47 = tpu.vector_load %arg9[%swap3A_45, %swap3A_46] {strides = array<i32>} : memref<2x128xf32, #tpu.memory_space<vmem>>, vector<1x16xf32>,
    %swap3A_48 = vector.shape_cast %swap3A_47 : vector<1x16xf32> to vector<16xf32>
    %swap3A_49 = vector.shape_cast %add3A_43 : vector<16xf32> to vector<1x16xf32>
    tpu.vector_store %arg9[%swap3A_45, %swap3A_46], %swap3A_49 {strides = array<i32>} : memref<2x128xf32, #tpu.memory_space<vmem>>, vector<1x16xf32>,
    %add3A_50 = arith.addf %scan3A_27#3, %broadcast_in_dim3A_29 : vector<16xf32>
    %swap3A_51 = arith.constant 0 : i32
    %swap3A_52 = arith.index_cast %swap3A_51 : i32 to index
    %swap3A_53 = arith.constant 48 : index
    %swap3A_54 = tpu.vector_load %arg9[%swap3A_52, %swap3A_53] {strides = array<i32>} : memref<2x128xf32, #tpu.memory_space<vmem>>, vector<1x16xf32>,
    %swap3A_55 = vector.shape_cast %swap3A_54 : vector<1x16xf32> to vector<16xf32>
    %swap3A_56 = vector.shape_cast %add3A_50 : vector<16xf32> to vector<1x16xf32>
    tpu.vector_store %arg9[%swap3A_52, %swap3A_53], %swap3A_56 {strides = array<i32>} : memref<2x128xf32, #tpu.memory_space<vmem>>, vector<1x16xf32>,
    %add3A_57 = arith.addf %scan3A_27#4, %broadcast_in_dim3A_29 : vector<16xf32>
    %swap3A_58 = arith.constant 0 : i32
    %swap3A_59 = arith.index_cast %swap3A_58 : i32 to index
    %swap3A_60 = arith.constant 64 : index
    %swap3A_61 = tpu.vector_load %arg9[%swap3A_59, %swap3A_60] {strides = array<i32>} : memref<2x128xf32, #tpu.memory_space<vmem>>, vector<1x16xf32>,
    %swap3A_62 = vector.shape_cast %swap3A_61 : vector<1x16xf32> to vector<16xf32>
    %swap3A_63 = vector.shape_cast %add3A_57 : vector<16xf32> to vector<1x16xf32>
    tpu.vector_store %arg9[%swap3A_59, %swap3A_60], %swap3A_63 {strides = array<i32>} : memref<2x128xf32, #tpu.memory_space<vmem>>, vector<1x16xf32>,
    %add3A_64 = arith.addf %scan3A_27#5, %broadcast_in_dim3A_29 : vector<16xf32>
    %swap3A_65 = arith.constant 0 : i32
    %swap3A_66 = arith.index_cast %swap3A_65 : i32 to index
    %swap3A_67 = arith.constant 80 : index
    %swap3A_68 = tpu.vector_load %arg9[%swap3A_66, %swap3A_67] {strides = array<i32>} : memref<2x128xf32, #tpu.memory_space<vmem>>, vector<1x16xf32>,
    %swap3A_69 = vector.shape_cast %swap3A_68 : vector<1x16xf32> to vector<16xf32>
    %swap3A_70 = vector.shape_cast %add3A_64 : vector<16xf32> to vector<1x16xf32>
    tpu.vector_store %arg9[%swap3A_66, %swap3A_67], %swap3A_70 {strides = array<i32>} : memref<2x128xf32, #tpu.memory_space<vmem>>, vector<1x16xf32>,
    %add3A_71 = arith.addf %scan3A_27#6, %broadcast_in_dim3A_29 : vector<16xf32>
    %swap3A_72 = arith.constant 0 : i32
    %swap3A_73 = arith.index_cast %swap3A_72 : i32 to index
    %swap3A_74 = arith.constant 96 : index
    %swap3A_75 = tpu.vector_load %arg9[%swap3A_73, %swap3A_74] {strides = array<i32>} : memref<2x128xf32, #tpu.memory_space<vmem>>, vector<1x16xf32>,
    %swap3A_76 = vector.shape_cast %swap3A_75 : vector<1x16xf32> to vector<16xf32>
    %swap3A_77 = vector.shape_cast %add3A_71 : vector<16xf32> to vector<1x16xf32>
    tpu.vector_store %arg9[%swap3A_73, %swap3A_74], %swap3A_77 {strides = array<i32>} : memref<2x128xf32, #tpu.memory_space<vmem>>, vector<1x16xf32>,
    %add3A_78 = arith.addf %scan3A_27#7, %broadcast_in_dim3A_29 : vector<16xf32>
    %swap3A_79 = arith.constant 0 : i32
    %swap3A_80 = arith.index_cast %swap3A_79 : i32 to index
    %swap3A_81 = arith.constant 112 : index
    %swap3A_82 = tpu.vector_load %arg9[%swap3A_80, %swap3A_81] {strides = array<i32>} : memref<2x128xf32, #tpu.memory_space<vmem>>, vector<1x16xf32>,
    %swap3A_83 = vector.shape_cast %swap3A_82 : vector<1x16xf32> to vector<16xf32>
    %swap3A_84 = vector.shape_cast %add3A_78 : vector<16xf32> to vector<1x16xf32>
    tpu.vector_store %arg9[%swap3A_80, %swap3A_81], %swap3A_84 {strides = array<i32>} : memref<2x128xf32, #tpu.memory_space<vmem>>, vector<1x16xf32>,
    %slice3A_85 = vector.extract_strided_slice %get3A_4 {offsets = [1], sizes = [1], strides = [1]} : vector<16xf32> to vector<1xf32>
    %squeeze3A_86 = vector.extract %slice3A_85[0] : f32 from vector<1xf32>
    %broadcast_in_dim3A_87 = vector.broadcast %squeeze3A_86 : f32 to vector<16xf32>
    %add3A_88 = arith.addf %scan3A_27#8, %broadcast_in_dim3A_87 : vector<16xf32>
    %swap3A_89 = arith.constant 1 : i32
    %swap3A_90 = arith.index_cast %swap3A_89 : i32 to index
    %swap3A_91 = arith.constant 0 : index
    %swap3A_92 = tpu.vector_load %arg9[%swap3A_90, %swap3A_91] {strides = array<i32>} : memref<2x128xf32, #tpu.memory_space<vmem>>, vector<1x16xf32>,
    %swap3A_93 = vector.shape_cast %swap3A_92 : vector<1x16xf32> to vector<16xf32>
    %swap3A_94 = vector.shape_cast %add3A_88 : vector<16xf32> to vector<1x16xf32>
    tpu.vector_store %arg9[%swap3A_90, %swap3A_91], %swap3A_94 {strides = array<i32>} : memref<2x128xf32, #tpu.memory_space<vmem>>, vector<1x16xf32>,
    %add3A_95 = arith.addf %scan3A_27#9, %broadcast_in_dim3A_87 : vector<16xf32>
    %swap3A_96 = arith.constant 1 : i32
    %swap3A_97 = arith.index_cast %swap3A_96 : i32 to index
    %swap3A_98 = arith.constant 16 : index
    %swap3A_99 = tpu.vector_load %arg9[%swap3A_97, %swap3A_98] {strides = array<i32>} : memref<2x128xf32, #tpu.memory_space<vmem>>, vector<1x16xf32>,
    %swap3A_100 = vector.shape_cast %swap3A_99 : vector<1x16xf32> to vector<16xf32>
    %swap3A_101 = vector.shape_cast %add3A_95 : vector<16xf32> to vector<1x16xf32>
    tpu.vector_store %arg9[%swap3A_97, %swap3A_98], %swap3A_101 {strides = array<i32>} : memref<2x128xf32, #tpu.memory_space<vmem>>, vector<1x16xf32>,
    %add3A_102 = arith.addf %scan3A_27#10, %broadcast_in_dim3A_87 : vector<16xf32>
    %swap3A_103 = arith.constant 1 : i32
    %swap3A_104 = arith.index_cast %swap3A_103 : i32 to index
    %swap3A_105 = arith.constant 32 : index
    %swap3A_106 = tpu.vector_load %arg9[%swap3A_104, %swap3A_105] {strides = array<i32>} : memref<2x128xf32, #tpu.memory_space<vmem>>, vector<1x16xf32>,
    %swap3A_107 = vector.shape_cast %swap3A_106 : vector<1x16xf32> to vector<16xf32>
    %swap3A_108 = vector.shape_cast %add3A_102 : vector<16xf32> to vector<1x16xf32>
    tpu.vector_store %arg9[%swap3A_104, %swap3A_105], %swap3A_108 {strides = array<i32>} : memref<2x128xf32, #tpu.memory_space<vmem>>, vector<1x16xf32>,
    %add3A_109 = arith.addf %scan3A_27#11, %broadcast_in_dim3A_87 : vector<16xf32>
    %swap3A_110 = arith.constant 1 : i32
    %swap3A_111 = arith.index_cast %swap3A_110 : i32 to index
    %swap3A_112 = arith.constant 48 : index
    %swap3A_113 = tpu.vector_load %arg9[%swap3A_111, %swap3A_112] {strides = array<i32>} : memref<2x128xf32, #tpu.memory_space<vmem>>, vector<1x16xf32>,
    %swap3A_114 = vector.shape_cast %swap3A_113 : vector<1x16xf32> to vector<16xf32>
    %swap3A_115 = vector.shape_cast %add3A_109 : vector<16xf32> to vector<1x16xf32>
    tpu.vector_store %arg9[%swap3A_111, %swap3A_112], %swap3A_115 {strides = array<i32>} : memref<2x128xf32, #tpu.memory_space<vmem>>, vector<1x16xf32>,
    %add3A_116 = arith.addf %scan3A_27#12, %broadcast_in_dim3A_87 : vector<16xf32>
    %swap3A_117 = arith.constant 1 : i32
    %swap3A_118 = arith.index_cast %swap3A_117 : i32 to index
    %swap3A_119 = arith.constant 64 : index
    %swap3A_120 = tpu.vector_load %arg9[%swap3A_118, %swap3A_119] {strides = array<i32>} : memref<2x128xf32, #tpu.memory_space<vmem>>, vector<1x16xf32>,
    %swap3A_121 = vector.shape_cast %swap3A_120 : vector<1x16xf32> to vector<16xf32>
    %swap3A_122 = vector.shape_cast %add3A_116 : vector<16xf32> to vector<1x16xf32>
    tpu.vector_store %arg9[%swap3A_118, %swap3A_119], %swap3A_122 {strides = array<i32>} : memref<2x128xf32, #tpu.memory_space<vmem>>, vector<1x16xf32>,
    %add3A_123 = arith.addf %scan3A_27#13, %broadcast_in_dim3A_87 : vector<16xf32>
    %swap3A_124 = arith.constant 1 : i32
    %swap3A_125 = arith.index_cast %swap3A_124 : i32 to index
    %swap3A_126 = arith.constant 80 : index
    %swap3A_127 = tpu.vector_load %arg9[%swap3A_125, %swap3A_126] {strides = array<i32>} : memref<2x128xf32, #tpu.memory_space<vmem>>, vector<1x16xf32>,
    %swap3A_128 = vector.shape_cast %swap3A_127 : vector<1x16xf32> to vector<16xf32>
    %swap3A_129 = vector.shape_cast %add3A_123 : vector<16xf32> to vector<1x16xf32>
    tpu.vector_store %arg9[%swap3A_125, %swap3A_126], %swap3A_129 {strides = array<i32>} : memref<2x128xf32, #tpu.memory_space<vmem>>, vector<1x16xf32>,
    %add3A_130 = arith.addf %scan3A_27#14, %broadcast_in_dim3A_87 : vector<16xf32>
    %swap3A_131 = arith.constant 1 : i32
    %swap3A_132 = arith.index_cast %swap3A_131 : i32 to index
    %swap3A_133 = arith.constant 96 : index
    %swap3A_134 = tpu.vector_load %arg9[%swap3A_132, %swap3A_133] {strides = array<i32>} : memref<2x128xf32, #tpu.memory_space<vmem>>, vector<1x16xf32>,
    %swap3A_135 = vector.shape_cast %swap3A_134 : vector<1x16xf32> to vector<16xf32>
    %swap3A_136 = vector.shape_cast %add3A_130 : vector<16xf32> to vector<1x16xf32>
    tpu.vector_store %arg9[%swap3A_132, %swap3A_133], %swap3A_136 {strides = array<i32>} : memref<2x128xf32, #tpu.memory_space<vmem>>, vector<1x16xf32>,
    %add3A_137 = arith.addf %scan3A_27#15, %broadcast_in_dim3A_87 : vector<16xf32>
    %swap3A_138 = arith.constant 1 : i32
    %swap3A_139 = arith.index_cast %swap3A_138 : i32 to index
    %swap3A_140 = arith.constant 112 : index
    %swap3A_141 = tpu.vector_load %arg9[%swap3A_139, %swap3A_140] {strides = array<i32>} : memref<2x128xf32, #tpu.memory_space<vmem>>, vector<1x16xf32>,
    %swap3A_142 = vector.shape_cast %swap3A_141 : vector<1x16xf32> to vector<16xf32>
    %swap3A_143 = vector.shape_cast %add3A_137 : vector<16xf32> to vector<1x16xf32>
    tpu.vector_store %arg9[%swap3A_139, %swap3A_140], %swap3A_143 {strides = array<i32>} : memref<2x128xf32, #tpu.memory_space<vmem>>, vector<1x16xf32>,
    %run_scoped3A = arith.constant 0 : i32
    %run_scoped3A_144 = arith.constant 0 : i32
    "tpu.region"() ({
      %run_scoped3A_147 = tpu.sem_alloc : memref<!tpu.dma_semaphore, #tpu.memory_space<semaphore_mem>>
      %dma_start3A = arith.constant 0 : i32
      %dma_start3A_148 = tpu.memref_slice %arg9[%run_scoped3A, %dma_start3A] : memref<2x128xf32, #tpu.memory_space<vmem>> -> memref<1x128xf32, #tpu.memory_space<vmem>>
      %dma_start3A_149 = tpu.memref_squeeze %dma_start3A_148 : memref<1x128xf32, #tpu.memory_space<vmem>> -> memref<128xf32, #tpu.memory_space<vmem>>
      %dma_start3A_150 = tpu.memref_slice %arg5[%run_scoped3A_144, %mul3A_2] : memref<2x4096xf32, #tpu.memory_space<hbm>> -> memref<1x128xf32, #tpu.memory_space<hbm>>
      %dma_start3A_151 = tpu.memref_squeeze %dma_start3A_150 : memref<1x128xf32, #tpu.memory_space<hbm>> -> memref<128xf32, #tpu.memory_space<hbm>>
      %dma_start3A_152 = tpu.memref_slice %arg5[%run_scoped3A_144, %mul3A_2] : memref<2x4096xf32, #tpu.memory_space<hbm>> -> memref<1x128xf32, #tpu.memory_space<hbm>>
      %dma_start3A_153 = tpu.memref_squeeze %dma_start3A_152 : memref<1x128xf32, #tpu.memory_space<hbm>> -> memref<128xf32, #tpu.memory_space<hbm>>
      %dma_start3A_154 = arith.constant 0 : i32
      %dma_start3A_155 = tpu.memref_slice %arg9[%run_scoped3A, %dma_start3A_154] : memref<2x128xf32, #tpu.memory_space<vmem>> -> memref<1x128xf32, #tpu.memory_space<vmem>>
      %dma_start3A_156 = tpu.memref_squeeze %dma_start3A_155 : memref<1x128xf32, #tpu.memory_space<vmem>> -> memref<128xf32, #tpu.memory_space<vmem>>
      tpu.enqueue_dma source(%dma_start3A_156 : memref<128xf32, #tpu.memory_space<vmem>>) target(%dma_start3A_153 : memref<128xf32, #tpu.memory_space<hbm>>) target_semaphore(%run_scoped3A_147 : memref<!tpu.dma_semaphore, #tpu.memory_space<semaphore_mem>>)
      %dma_wait3A = arith.constant 0 : i32
      %dma_wait3A_157 = tpu.memref_slice %arg9[%run_scoped3A, %dma_wait3A] : memref<2x128xf32, #tpu.memory_space<vmem>> -> memref<1x128xf32, #tpu.memory_space<vmem>>
      %dma_wait3A_158 = tpu.memref_squeeze %dma_wait3A_157 : memref<1x128xf32, #tpu.memory_space<vmem>> -> memref<128xf32, #tpu.memory_space<vmem>>
      %dma_wait3A_159 = tpu.memref_slice %arg5[%run_scoped3A_144, %mul3A_2] : memref<2x4096xf32, #tpu.memory_space<hbm>> -> memref<1x128xf32, #tpu.memory_space<hbm>>
      %dma_wait3A_160 = tpu.memref_squeeze %dma_wait3A_159 : memref<1x128xf32, #tpu.memory_space<hbm>> -> memref<128xf32, #tpu.memory_space<hbm>>
      %dma_wait3A_161 = tpu.memref_slice %arg5[%run_scoped3A_144, %mul3A_2] : memref<2x4096xf32, #tpu.memory_space<hbm>> -> memref<1x128xf32, #tpu.memory_space<hbm>>
      %dma_wait3A_162 = tpu.memref_squeeze %dma_wait3A_161 : memref<1x128xf32, #tpu.memory_space<hbm>> -> memref<128xf32, #tpu.memory_space<hbm>>
      %dma_wait3A_163 = arith.constant 0 : i32
      %dma_wait3A_164 = tpu.memref_slice %arg9[%run_scoped3A, %dma_wait3A_163] : memref<2x128xf32, #tpu.memory_space<vmem>> -> memref<1x128xf32, #tpu.memory_space<vmem>>
      %dma_wait3A_165 = tpu.memref_squeeze %dma_wait3A_164 : memref<1x128xf32, #tpu.memory_space<vmem>> -> memref<128xf32, #tpu.memory_space<vmem>>
      tpu.wait_dma2 semaphore(%run_scoped3A_147 : memref<!tpu.dma_semaphore, #tpu.memory_space<semaphore_mem>>) src(%dma_wait3A_165 : memref<128xf32, #tpu.memory_space<vmem>>) dst(%dma_wait3A_162 : memref<128xf32, #tpu.memory_space<hbm>>)
      tpu.yield
    }) : () -> ()
    %run_scoped3A_145 = arith.constant 1 : i32
    %run_scoped3A_146 = arith.constant 1 : i32
    "tpu.region"() ({
      %run_scoped3A_147 = tpu.sem_alloc : memref<!tpu.dma_semaphore, #tpu.memory_space<semaphore_mem>>
      %dma_start3A = arith.constant 0 : i32
      %dma_start3A_148 = tpu.memref_slice %arg9[%run_scoped3A_145, %dma_start3A] : memref<2x128xf32, #tpu.memory_space<vmem>> -> memref<1x128xf32, #tpu.memory_space<vmem>>
      %dma_start3A_149 = tpu.memref_squeeze %dma_start3A_148 : memref<1x128xf32, #tpu.memory_space<vmem>> -> memref<128xf32, #tpu.memory_space<vmem>>
      %dma_start3A_150 = tpu.memref_slice %arg5[%run_scoped3A_146, %mul3A_2] : memref<2x4096xf32, #tpu.memory_space<hbm>> -> memref<1x128xf32, #tpu.memory_space<hbm>>
      %dma_start3A_151 = tpu.memref_squeeze %dma_start3A_150 : memref<1x128xf32, #tpu.memory_space<hbm>> -> memref<128xf32, #tpu.memory_space<hbm>>
      %dma_start3A_152 = tpu.memref_slice %arg5[%run_scoped3A_146, %mul3A_2] : memref<2x4096xf32, #tpu.memory_space<hbm>> -> memref<1x128xf32, #tpu.memory_space<hbm>>
      %dma_start3A_153 = tpu.memref_squeeze %dma_start3A_152 : memref<1x128xf32, #tpu.memory_space<hbm>> -> memref<128xf32, #tpu.memory_space<hbm>>
      %dma_start3A_154 = arith.constant 0 : i32
      %dma_start3A_155 = tpu.memref_slice %arg9[%run_scoped3A_145, %dma_start3A_154] : memref<2x128xf32, #tpu.memory_space<vmem>> -> memref<1x128xf32, #tpu.memory_space<vmem>>
      %dma_start3A_156 = tpu.memref_squeeze %dma_start3A_155 : memref<1x128xf32, #tpu.memory_space<vmem>> -> memref<128xf32, #tpu.memory_space<vmem>>
      tpu.enqueue_dma source(%dma_start3A_156 : memref<128xf32, #tpu.memory_space<vmem>>) target(%dma_start3A_153 : memref<128xf32, #tpu.memory_space<hbm>>) target_semaphore(%run_scoped3A_147 : memref<!tpu.dma_semaphore, #tpu.memory_space<semaphore_mem>>)
      %dma_wait3A = arith.constant 0 : i32
      %dma_wait3A_157 = tpu.memref_slice %arg9[%run_scoped3A_145, %dma_wait3A] : memref<2x128xf32, #tpu.memory_space<vmem>> -> memref<1x128xf32, #tpu.memory_space<vmem>>
      %dma_wait3A_158 = tpu.memref_squeeze %dma_wait3A_157 : memref<1x128xf32, #tpu.memory_space<vmem>> -> memref<128xf32, #tpu.memory_space<vmem>>
      %dma_wait3A_159 = tpu.memref_slice %arg5[%run_scoped3A_146, %mul3A_2] : memref<2x4096xf32, #tpu.memory_space<hbm>> -> memref<1x128xf32, #tpu.memory_space<hbm>>
      %dma_wait3A_160 = tpu.memref_squeeze %dma_wait3A_159 : memref<1x128xf32, #tpu.memory_space<hbm>> -> memref<128xf32, #tpu.memory_space<hbm>>
      %dma_wait3A_161 = tpu.memref_slice %arg5[%run_scoped3A_146, %mul3A_2] : memref<2x4096xf32, #tpu.memory_space<hbm>> -> memref<1x128xf32, #tpu.memory_space<hbm>>
      %dma_wait3A_162 = tpu.memref_squeeze %dma_wait3A_161 : memref<1x128xf32, #tpu.memory_space<hbm>> -> memref<128xf32, #tpu.memory_space<hbm>>
      %dma_wait3A_163 = arith.constant 0 : i32
      %dma_wait3A_164 = tpu.memref_slice %arg9[%run_scoped3A_145, %dma_wait3A_163] : memref<2x128xf32, #tpu.memory_space<vmem>> -> memref<1x128xf32, #tpu.memory_space<vmem>>
      %dma_wait3A_165 = tpu.memref_squeeze %dma_wait3A_164 : memref<1x128xf32, #tpu.memory_space<vmem>> -> memref<128xf32, #tpu.memory_space<vmem>>
      tpu.wait_dma2 semaphore(%run_scoped3A_147 : memref<!tpu.dma_semaphore, #tpu.memory_space<semaphore_mem>>) src(%dma_wait3A_165 : memref<128xf32, #tpu.memory_space<vmem>>) dst(%dma_wait3A_162 : memref<128xf32, #tpu.memory_space<hbm>>)
      tpu.yield
    }) : () -> ()
    return
  }
}

module attributes {stable_mosaic.version = 14 : i64} {
  func.func @_fold_body(%arg0: i32, %arg1: memref<2x32xf32, #tpu.memory_space<vmem>>, %arg2: memref<32x65536xf32, #tpu.memory_space<vmem>>, %arg3: memref<65536xi32, #tpu.memory_space<vmem>>) attributes {dimension_semantics = [#tpu.dimension_semantics<arbitrary>], iteration_bounds = array<i64: 16>, scalar_prefetch = 0 : i64, scratch_operands = 0 : i64, tpu.core_type = #tpu.core_type<tc>, window_params = [{pipeline_mode = #tpu.pipeline_mode<synchronous>, transform_indices = @transform_0, window_bounds = array<i64: 2, 32>}, {transform_indices = @transform_1, window_bounds = array<i64: 32, 65536>}, {transform_indices = @transform_2, window_bounds = array<i64: 65536>}]} {
    %get3A = arith.constant 0 : index
    %get3A_0 = arith.constant 0 : index
    %get3A_1 = vector.load %arg1[%get3A, %get3A_0] : memref<2x32xf32, #tpu.memory_space<vmem>>, vector<2x32xf32>
    %get3A_2 = arith.constant 0 : index
    %get3A_3 = arith.constant 0 : index
    %get3A_4 = vector.load %arg2[%get3A_2, %get3A_3] : memref<32x65536xf32, #tpu.memory_space<vmem>>, vector<32x65536xf32>
    %dot_general3A = arith.constant dense<0.000000e+00> : vector<2x65536xf32>
    %dot_general3A_5 = tpu.matmul %get3A_1, %get3A_4, %dot_general3A {dimension_numbers = #tpu.dot_dimension_numbers<[1], [0], [0], [1], [0, 0, 1, 1], [], []>, transpose_lhs_hint = false} : vector<2x32xf32>, vector<32x65536xf32>, vector<2x65536xf32> -> vector<2x65536xf32>
    %mul3A = arith.constant 5.000000e-03 : f32
    %mul3A_6 = vector.broadcast %mul3A : f32 to vector<2x65536xf32>
    %mul3A_7 = arith.mulf %dot_general3A_5, %mul3A_6 : vector<2x65536xf32>
    %convert_element_type3A = arith.truncf %mul3A_7 : vector<2x65536xf32> to vector<2x65536xbf16>
    %bitcast_convert_type3A = tpu.bitcast %convert_element_type3A : vector<2x65536xbf16> -> vector<2x65536xi16>
    %convert_element_type3A_8 = arith.extui %bitcast_convert_type3A : vector<2x65536xi16> to vector<2x65536xi32>
    %slice3A = vector.extract_strided_slice %convert_element_type3A_8 {offsets = [1, 0], sizes = [1, 65536], strides = [1, 1]} : vector<2x65536xi32> to vector<1x65536xi32>
    %squeeze3A = vector.shape_cast %slice3A : vector<1x65536xi32> to vector<65536xi32>
    %shift_left3A = arith.constant 16 : i32
    %shift_left3A_9 = vector.broadcast %shift_left3A : i32 to vector<65536xi32>
    %shift_left3A_10 = arith.shli %squeeze3A, %shift_left3A_9 : vector<65536xi32>
    %slice3A_11 = vector.extract_strided_slice %convert_element_type3A_8 {offsets = [0, 0], sizes = [1, 65536], strides = [1, 1]} : vector<2x65536xi32> to vector<1x65536xi32>
    %squeeze3A_12 = vector.shape_cast %slice3A_11 : vector<1x65536xi32> to vector<65536xi32>
    %or3A = arith.ori %shift_left3A_10, %squeeze3A_12 : vector<65536xi32>
    %swap3A = arith.constant 0 : index
    %swap3A_13 = vector.load %arg3[%swap3A] : memref<65536xi32, #tpu.memory_space<vmem>>, vector<65536xi32>
    tpu.vector_store %arg3[%swap3A], %or3A {strides = array<i32>} : memref<65536xi32, #tpu.memory_space<vmem>>, vector<65536xi32>,
    return
  }
  func.func @transform_0(%arg0: i32) -> (i32, i32) {
    %c0_i32 = arith.constant 0 : i32
    %c0_i32_0 = arith.constant 0 : i32
    %c0_i32_1 = arith.constant 0 : i32
    return %c0_i32, %c0_i32_0 : i32, i32
  }
  func.func @transform_1(%arg0: i32) -> (i32, i32) {
    %c0_i32 = arith.constant 0 : i32
    %c0_i32_0 = arith.constant 0 : i32
    return %c0_i32, %arg0 : i32, i32
  }
  func.func @transform_2(%arg0: i32) -> i32 {
    %c0_i32 = arith.constant 0 : i32
    return %arg0 : i32
  }
}

</mosaic_0001>

<sc_bundles>
// kernel: kernel.4.cloned.1.call-start
scs
__scs_entry_jumppad:
0x0: {  	(pc) =	sbr.rel $0x88, $3  }
0x1: {  	(tag) =	ssettag $0x0;
	lr =	simm.s32 $0x1  }
0x2: {  	[smem:$0x3F9D] =	sst lr;
	_ =	strace $0xD0000000  }
0x3: {  	_ = 	snop  }
0x4: {  	_ = 	snop  }
0x5: {  	_ = 	snop  }
0x6: {  	_ = 	snop  }
0x7: {  	_ = 	snop  }
__scs_overlays_trampoline_lowered:
0x8: {  	[smem:$0x3FAC] =	sst s0  }
0x9: {  	[smem:$0x3FAD] =	sst s1  }
0xa: {  	[smem:$0x3FAE] =	sst s2  }
0xb: {  	[smem:$0x3FAF] =	sst s3  }
0xc: {  	[smem:$0x3FB0] =	sst s4  }
0xd: {  	[smem:$0x3FB1] =	sst s5  }
0xe: {  	[smem:$0x3FB2] =	sst s6  }
0xf: {  	[smem:$0x3FB3] =	sst s7  }
0x10: {  	[smem:$0x3FB4] =	sst s8  }
0x11: {  	[smem:$0x3FB5] =	sst s9;
	s0 =	simm.s32 @!p0 $0x0  }
0x12: {  	s1 =	sld [smem:$0x3F9B];
	s0 =	simm.s32 @p0 $0x1  }
0x13: {  	[smem:$0x3FB6] =	sst s0;
	s0 =	simm.s32 @!p1 $0x0  }
0x14: {  	s2 =	sld [smem:$0x3F9A];
	s0 =	simm.s32 @p1 $0x1  }
0x15: {  	[smem:$0x3FB7] =	sst s0;
	s0 =	simm.s32 @!p2 $0x0  }
0x16: {  	s3 =	sld [smem:$0x3FDB];
	s0 =	simm.s32 @p2 $0x1  }
0x17: {  	s4 =	simm.s32 $0x1BF5;
	[smem:$0x3FB9] =	sst s0  }
0x18: {  	s0 =	sld [smem:$0x3F9C];
	_ =	swait.ge [sflag:s4], $0x0  }
0x19: {  	s7 =	sld [smem:$0x3F9D]  }
0x1a: {  	s8 =	sadd.s32 $0xFFFFE003, lr  }
0x1b: {  	s9 =	sadd.s32 $0xFFFFFEF7, lr;
	s5 =	simm.s32 $0xFFFFFFFF;
	p2 =	slt.u32 s8, $0xFFFFF086  }
0x1c: {  	p1 =	slt.u32 s9, $0xF7A;
	s5 =	simm.s32 @!p2 $0x0  }
0x1d: {  	s5 =	simm.s32 @p1 $0x1;
	p0 =	seq.s32 s7, s2  }
0x1e: {  	s7 =	smul.u32 @!p0 $0xF7A, s2;
	p2 =	seq.s32 @!p0 s5, $0x0  }
0x1f: {  	s9 =	smul.u32 $0xF7A, s1;
	s8 =	simm.s32 @!p0 $0x1BF5;
	p2 =	por !p2, p0  }
0x20: {  	[sflag:s8] =	ssyncset.s32 @!p0 $0xFFFFF086;
	s6 =	sadd.s32 @!p0 s3, s7;
	s7 =	simm.s32 @!p0 $0x108  }
0x21: {  	s3 =	sadd.s32 s3, s9;
	s6 =	sadd.s32 @!p0 $0x88, s6;
	s7 =	simm.s32 @p2 $0x1082  }
0x22: {  	[simem:s7], [sflag:s8] =	dma.local @!p0 [hbm:s6], $0xF7A  }
0x23: {  	s9 =	sor.u32 $0xD0000000, s2;
	s6 =	simm.s32 $0x108;
	_ =	swait.ge @!p0 [sflag:s8], $0x0  }
0x24: {  	s3 =	sadd.s32 $0x88, s3;
	s6 =	simm.s32 @!p1 $0x1082;
	[sflag:s4] =	ssyncset.s32 $0xFFFFF086  }
0x25: {  	[simem:s6], [sflag:s4] =	dma.local [hbm:s3], $0xF7A  }
0x26: {  	[smem:$0x3F9D] =	sst s1;
	(tag) =	ssettag s2;
	_ =	strace s9  }
0x27: {  	s1 =	sld [smem:$0x3FAD]  }
0x28: {  	s2 =	sld [smem:$0x3FAE]  }
0x29: {  	s4 =	sld [smem:$0x3FB0]  }
0x2a: {  	p0 =	seq.s32 s5, $0x0;
	s5 =	sld [smem:$0x3FB1]  }
0x2b: {  	s6 =	sld [smem:$0x3FB2]  }
0x2c: {  	s7 =	sld [smem:$0x3FB3]  }
0x2d: {  	s3 =	simm.s32 $0x108;
	s8 =	sld [smem:$0x3FB4]  }
0x2e: {  	s3 =	simm.s32 @!p0 $0x1082;
	s9 =	sld [smem:$0x3FB5]  }
0x2f: {  	lr =	sadd.s32 s0, s3;
	s0 =	sld [smem:$0x3FAC]  }
0x30: {  	s3 =	sld [smem:$0x3FAF]  }
0x31: {  	[smem:$0x3FB8] =	sst s10  }
0x32: {  	s10 =	sld [smem:$0x3FB6];
	_ =	sdelay $0x3  }
0x33: {  	p0 =	seq.s32 s10, $0x1;
	s10 =	sld [smem:$0x3FB8];
	_ =	sdelay $0x3  }
0x34: {  	[smem:$0x3FB8] =	sst s10  }
0x35: {  	s10 =	sld [smem:$0x3FB7];
	_ =	sdelay $0x3  }
0x36: {  	p1 =	seq.s32 s10, $0x1;
	s10 =	sld [smem:$0x3FB8];
	_ =	sdelay $0x3  }
0x37: {  	[smem:$0x3FB8] =	sst s10  }
0x38: {  	s10 =	sld [smem:$0x3FB9]  }
0x39: {  	_ = 	snop;
	(pc) =	sbr.ind lr, $3  }
0x3a: {  	_ = 	snop  }
0x3b: {  	_ = 	snop  }
0x3c: {  	p2 =	seq.s32 s10, $0x1;
	s10 =	sld [smem:$0x3FB8]  }
0x3d: {  	_ =	shalt  }
0x3e: {  	_ =	shalt  }
0x3f: {  	_ =	shalt  }
0x40: {  	_ =	shalt  }
0x41: {  	_ =	shalt  }
0x42: {  	_ =	shalt  }
0x43: {  	_ =	shalt  }
0x44: {  	_ =	shalt  }
0x45: {  	_ =	shalt  }
0x46: {  	_ =	shalt  }
0x47: {  	_ =	shalt  }
0x48: {  	_ =	shalt  }
0x49: {  	_ =	shalt  }
0x4a: {  	_ =	shalt  }
0x4b: {  	_ =	shalt  }
0x4c: {  	_ =	shalt  }
0x4d: {  	_ =	shalt  }
0x4e: {  	_ =	shalt  }
0x4f: {  	_ =	shalt  }
0x50: {  	_ =	shalt  }
0x51: {  	_ =	shalt  }
0x52: {  	_ =	shalt  }
0x53: {  	_ =	shalt  }
0x54: {  	_ =	shalt  }
0x55: {  	_ =	shalt  }
0x56: {  	_ =	shalt  }
0x57: {  	_ =	shalt  }
0x58: {  	_ =	shalt  }
0x59: {  	_ =	shalt  }
0x5a: {  	_ =	shalt  }
0x5b: {  	_ =	shalt  }
0x5c: {  	_ =	shalt  }
0x5d: {  	_ =	shalt  }
0x5e: {  	_ =	shalt  }
0x5f: {  	_ =	shalt  }
0x60: {  	_ =	shalt  }
0x61: {  	_ =	shalt  }
0x62: {  	_ =	shalt  }
0x63: {  	_ =	shalt  }
0x64: {  	_ =	shalt  }
0x65: {  	_ =	shalt  }
0x66: {  	_ =	shalt  }
0x67: {  	_ =	shalt  }
0x68: {  	_ =	shalt  }
0x69: {  	_ =	shalt  }
0x6a: {  	_ =	shalt  }
0x6b: {  	_ =	shalt  }
0x6c: {  	_ =	shalt  }
0x6d: {  	_ =	shalt  }
0x6e: {  	_ =	shalt  }
0x6f: {  	_ =	shalt  }
0x70: {  	_ =	shalt  }
0x71: {  	_ =	shalt  }
0x72: {  	_ =	shalt  }
0x73: {  	_ =	shalt  }
0x74: {  	_ =	shalt  }
0x75: {  	_ =	shalt  }
0x76: {  	_ =	shalt  }
0x77: {  	_ =	shalt  }
0x78: {  	_ =	shalt  }
0x79: {  	_ =	shalt  }
0x7a: {  	_ =	shalt  }
0x7b: {  	_ =	shalt  }
0x7c: {  	_ =	shalt  }
0x7d: {  	_ =	shalt  }
0x7e: {  	_ =	shalt  }
0x7f: {  	_ =	shalt  }
0x80: {  	_ =	shalt  }
0x81: {  	_ =	shalt  }
0x82: {  	_ =	shalt  }
0x83: {  	_ =	shalt  }
0x84: {  	_ =	shalt  }
0x85: {  	_ =	shalt  }
0x86: {  	_ =	shalt  }
0x87: {  	_ =	shalt  }
.Lfunc_end0:
.L_simem_size_0:
called_computation_lowered:
.L_overlay_start_0:
0x88: {  	s2 =	sld [smem:$0x3FD9]  }
0x89: {  	s3 =	sld [smem:$0x3FFE];
	_ =	sdelay $0x1  }
0x8a: {  	s1 =	srdreg.scid  }
0x8b: {  	s0 =	sand.u32 $0x1, s1  }
0x8c: {  	s17 =	sshll.u32 s0, $0xA;
	s2 =	sadd.s32 s3, s2  }
0x8d: {  	s2 =	sadd.s32 s2, s17  }
0x8e: {  	[smem:$0x3FC4] =	sst s2  }
0x8f: {  	_ = 	snop  }
0x90: {  	s2 =	sld [smem:$0x3FC9]  }
0x91: {  	s18 =	sld [smem:$0x3FD0];
	(tm) =	ssettm $0x1  }
0x92: {  	s4 =	sld [smem:$0x3FFB];
	_ =	sdelay $0x3  }
0x93: {  	_ =	strace s4  }
0x94: {  	s4 =	sld [smem:$0x3FFC];
	_ =	sdelay $0x3  }
0x95: {  	_ =	strace s4  }
0x96: {  	s4 =	sld [smem:$0x3FFD];
	_ =	sdelay $0x3  }
0x97: {  	_ =	strace s4  }
0x98: {  	_ =	strace $0x8FFFFFFF  }
0x99: {  	s19 =	sld [smem:$0x3FDB];
	_ =	sdelay $0x1  }
0x9a: {  	s5 =	simm.s32 $_scs_section_size  }
0x9b: {  	s6 =	simm.s32 $_size__tile_overlayer_lowered;
	s7 =	simm.s32 $_tile_overlayer_lowered  }
0x9c: {  	s22 =	simm.s32 $0x1BFF;
	s21 =	sshll.u32 s7, $0x1;
	s4 =	sadd.s32 s5, s19  }
0x9d: {  	s8 =	simm.s32 $0x0;
	s20 =	sshll.u32 s6, $0x1;
	s6 =	sadd.s32 s21, s4  }
0x9e: {  	[timem:s8], [sflag:s22] =	dma.local [hbm:s6], s20  }
0x9f: {  	_ =	swait.ge [sflag:s22], s20  }
0xa0: {  	s5 =	ssub.s32 $0x0, s20;
	[sflag:s22] =	ssyncset.done $0x0  }
0xa1: {  	[sflag:s22] =	ssyncadd.s32 s5;
	_ =	sdelay $0x1  }
0xa2: {  	s23 =	simm.s32 $0x1B8B  }
0xa3: {  	_ =	swait.ge [sflag:s23], $0x1  }
0xa4: {  	[sflag:s23] =	ssyncset.done $0x0  }
0xa5: {  	s25 =	simm.s32 $0x1B8E;
	s24 =	sld [smem:$0x3FFE];
	[sflag:s23] =	ssyncadd.s32 $0xFFFFFFFF  }
0xa6: {  	s26 =	simm.s32 $execute0_lowered;
	[smem:$0x3FD2] =	sst s25  }
0xa7: {  	s6 =	sshll.u32 s26, $0x1;
	_ =	strace $0x80000046;
	[dreg:$0x1] =	wrdreg $0xFFFFFFFF  }
0xa8: {  	s28 =	simm.s32 $_size_execute0_lowered;
	s4 =	sadd.s32 s4, s6;
	[dreg:$0x0] =	wrdreg $0x0  }
0xa9: {  	s6 =	sshll.u32 s28, $0x1;
	[dreg:$0x2] =	wrdreg s4  }
0xaa: {  	[dreg:$0x3] =	wrdreg s6  }
0xab: {  	[dreg:$0x4] =	wrdreg $0xC0  }
0xac: {  	_ =	task [dreg:s8], $0x5FFFF  }
0xad: {  	[dreg:$0x1] =	wrdreg $0xFFFFFFFF  }
0xae: {  	[dreg:$0x0] =	wrdreg $0x60  }
0xaf: {  	[dreg:$0x2] =	wrdreg s2  }
0xb0: {  	[dreg:$0x3] =	wrdreg s24  }
0xb1: {  	[dreg:$0x4] =	wrdreg s18  }
0xb2: {  	[dreg:$0x5] =	wrdreg $0x9  }
0xb3: {  	_ =	task.clear_ibuf [dreg:s8], $0x6FFFF;
	_ =	strace $0x90000046  }
0xb4: {  	s29 =	simm.s32 $0x9;
	_ =	strace $0x80000048  }
0xb5: {  	_ =	swait.ge [sflag:s29], $0x1  }
0xb6: {  	[sflag:s29] =	ssyncadd.s32 $0xFFFFFFFF  }
0xb7: {  	_ =	strace $0x90000048  }
0xb8: {  	_ =	sfence  }
0xb9: {  	s30 =	sld [smem:$0x0];
	_ =	sdelay $0x2  }
0xba: {  	s31 =	sshll.u32 s1, $0xD;
	s1 =	sshrl.u32 s1, $0x2  }
0xbb: {  	s3 =	sand.u32 $0x4000, s31;
	s1 =	sadd.s32 s1, s30  }
0xbc: {  	s0 =	sor.u32 s3, s0;
	s1 =	sshll.u32 s1, $0x11  }
0xbd: {  	s0 =	sor.u32 s1, s0  }
0xbe: {  	s0 =	sadd.s32 $0x8F2B, s0  }
0xbf: {  	[sflag:s0] =	ssyncadd.remote.s32 $0x1  }
0xc0: {  	_ =	sfence.sel $0xFFFF  }
0xc1: {  	[dreg:$0x0] =	wrdreg $0xFFFFFFFF;
	(pc) =	sbr.abs _section_cstart, $3  }
0xc2: {  	[dreg:$0x1] =	wrdreg $0xFFFFFFFF  }
0xc3: {  	_ =	task.clear_ibuf [dreg:s8], $0x2FFFF;
	_ =	strace $0x9FFFFFFF  }
0xc4: {  	(tm) =	ssettm $0x7FFFFFFF  }
0xc5: {  	_ =	shalt  }
tec
execute0_lowered:
.L_overlay_start_1:
0x0: {  	(tag) =	ssettag $0x1  }
0x1: {  	s5 =	rddreg [dreg:$0x0]  }
0x2: {  	s6 =	rddreg [dreg:$0x1]  }
0x3: {  	s2 =	rddreg [dreg:$0x2]  }
0x4: {  	s0 =	rddreg [dreg:$0x3]  }
0x5: {  	s3 =	simm.s32 $0x0;
	s4 =	srdreg.scid;
	s1 =	stileid.u32  }
0x6: {  	s11 =	simm.s32 $0x5;
	s12 =	simm.s32 $0x6400;
	s13 =	simm.s32 $0x80  }
0x7: {  	s14 =	simm.s32 $0x9610;
	s15 =	simm.s32 $0x9690;
	s16 =	simm.s32 $0x0  }
0x8: {  	[smem:$0x7FF] =	sst s3;
	s4 =	sand.u32 $0x1, s4;
	s7 =	sshll.u32 s1, $0x1  }
0x9: {  	_ =	strace $0x80000047;
	s7 =	sor.u32 s4, s7;
	s8 =	ssub.s32 $0x2, s4  }
0xa: {  	s4 =	sadd.s32 $0x800, s6;
	s9 =	sshll.u32 s7, $0x4;
	s10 =	sshrl.u32 s8, $0x1  }
0xb: {  	s31 =	sshll.u32 s7, $0x7;
	s9 =	sadd.s32 s9, s6;
	s8 =	ssub.s32 s8, s10  }
0xc: {  	s5 =	sadd.s32 s5, s31;
	s10 =	simm.s32 $0x8000;
	s6 =	sadd.s32 $0x1F200, s9  }
0xd: {  	s7 =	sadd.s32 $0x1F400, s9;
	s8 =	smax.u32 s8, $0x1;
	s9 =	simm.s32 $0x400  }
.LBB2_1:
0xe: {  	[tilespmem:s3], [sflag:$0x5] =	stream.strided.gather [hbm4b:s5+s9], $0x6400, s10, s9, $0x38;
	[tilespmem:$0x9710] =	vst v63  }
0xf: {  	_ =	swait.ge [sflag:s11], $0x6400  }
0x10: {  	[sflag:s11] =	ssyncset.done $0x0  }
0x11: {  	[sflag:s11] =	ssyncadd.s32 $0xFFFF9C00  }
0x12: {  	[tilespmem:s12], [sflag:$0x5] =	stream.linear.gather [hbm4b:s2+s3], $0x10, $0x38;
	[tilespmem:$0x9710] =	vst v63  }
0x13: {  	_ =	swait.ge [sflag:s11], $0x10  }
0x14: {  	s18 =	sand.u32 $0x3000, s3;
	s17 =	simm.s32 $0x80;
	[sflag:s11] =	ssyncset.done $0x0  }
0x15: {  	s20 =	sand.u32 $0x380, s3;
	s18 =	sshrl.u32 s18, $0x2;
	[sflag:s11] =	ssyncadd.s32 $0xFFFFFFF0  }
0x16: {  	s19 =	simm.s32 $0x6410;
	s20 =	sor.u32 s20, s18;
	s18 =	simm.s32 $0x200;
	v0 =	vld [tilespmem:$0x6400]  }
.LBB2_2:
0x17: {  	[tilespmem:s19], [sflag:$0x1] =	stream.indirect.gather [hbm4b:s4+s13], $0x1, s20, s13, $0xb8;
	[tilespmem:$0x9710] =	vst v63  }
0x18: {  	s19 =	smov.u32 s17;
	p0 =	sne.s32 s17, $0xC00  }
.Ltmp0:
0x19: {  	s17 =	sadd.s32 $0x80, s17;
	(pc) =	sbr.rel @p0 .LBB2_2-.Ltmp0, $4  }
0x1a: {  	_ = 	snop  }
0x1b: {  	s20 =	sand.u32 $0x3000, s18  }
0x1c: {  	s21 =	sshra.s32 s18, $0x2;
	s22 =	sand.u32 $0x380, s19;
	s20 =	sshrl.u32 s20, $0x2  }
0x1d: {  	s18 =	sadd.s32 $0x200, s18;
	s19 =	sadd.s32 $0x6410, s21;
	s20 =	sor.u32 s22, s20  }
0x1e: {  	[tilespmem:s19], [sflag:$0x1] =	stream.indirect.gather [hbm4b:s4+s13], $0x1, s20, s13, $0xb8;
	[tilespmem:$0x9710] =	vst v63  }
0x1f: {  	s17 =	simm.s32 $0x3200  }
0x20: {  	s18 =	simm.s32 $0xC80;
	s30 =	sand.u32 $0x7000, s17  }
0x21: {  	s19 =	simm.s32 $0x7090;
	s18 =	sand.u32 $0x380, s18;
	s31 =	sshrl.u32 s30, $0x2  }
0x22: {  	s17 =	simm.s32 $0xD00;
	s20 =	sor.u32 s18, s31;
	s18 =	simm.s32 $0x3400  }
.LBB2_4:
0x23: {  	[tilespmem:s19], [sflag:$0x2] =	stream.indirect.gather [hbm4b:s4+s13], $0x1, s20, s13, $0xb8;
	[tilespmem:$0x9710] =	vst v63  }
0x24: {  	s19 =	smov.u32 s17;
	p0 =	sne.s32 s17, $0x1880  }
.Ltmp1:
0x25: {  	s17 =	sadd.s32 $0x80, s17;
	(pc) =	sbr.rel @p0 .LBB2_4-.Ltmp1, $4  }
0x26: {  	_ = 	snop  }
0x27: {  	s20 =	sand.u32 $0x7000, s18  }
0x28: {  	s21 =	sshra.s32 s18, $0x2;
	s22 =	sand.u32 $0x380, s19;
	s20 =	sshrl.u32 s20, $0x2  }
0x29: {  	s18 =	sadd.s32 $0x200, s18;
	s19 =	sadd.s32 $0x6410, s21;
	s20 =	sor.u32 s22, s20  }
0x2a: {  	[tilespmem:s19], [sflag:$0x2] =	stream.indirect.gather [hbm4b:s4+s13], $0x1, s20, s13, $0xb8;
	[tilespmem:$0x9710] =	vst v63  }
0x2b: {  	s17 =	simm.s32 $0x6400  }
0x2c: {  	s18 =	simm.s32 $0x1900;
	s30 =	sand.u32 $0xF000, s17  }
0x2d: {  	s19 =	simm.s32 $0x7D10;
	s18 =	sand.u32 $0x380, s18;
	s31 =	sshrl.u32 s30, $0x2  }
0x2e: {  	s17 =	simm.s32 $0x1980;
	s20 =	sor.u32 s18, s31;
	s18 =	simm.s32 $0x6600  }
.LBB2_6:
0x2f: {  	[tilespmem:s19], [sflag:$0x3] =	stream.indirect.gather [hbm4b:s4+s13], $0x1, s20, s13, $0xb8;
	[tilespmem:$0x9710] =	vst v63  }
0x30: {  	s19 =	smov.u32 s17;
	p0 =	sne.s32 s17, $0x2500  }
.Ltmp2:
0x31: {  	s17 =	sadd.s32 $0x80, s17;
	(pc) =	sbr.rel @p0 .LBB2_6-.Ltmp2, $4  }
0x32: {  	_ = 	snop  }
0x33: {  	s20 =	sand.u32 $0xF000, s18  }
0x34: {  	s21 =	sshra.s32 s18, $0x2;
	s22 =	sand.u32 $0x380, s19;
	s20 =	sshrl.u32 s20, $0x2  }
0x35: {  	s18 =	sadd.s32 $0x200, s18;
	s19 =	sadd.s32 $0x6410, s21;
	s20 =	sor.u32 s22, s20  }
0x36: {  	v3 =	vimm.f32 $0.0e+00  }
0x37: {  	v4 =	vimm.f32 $0.0e+00;
	v5 =	vimm.f32 $0.0e+00;
	v6 =	vimm.f32 $0.0e+00  }
0x38: {  	v8 =	vimm.f32 $0.0e+00;
	v7 =	vimm.f32 $0.0e+00;
	v9 =	vimm.f32 $0.0e+00  }
0x39: {  	[tilespmem:s19], [sflag:$0x3] =	stream.indirect.gather [hbm4b:s4+s13], $0x1, s20, s13, $0xb8;
	v10 =	vimm.f32 $0.0e+00;
	v12 =	vimm.f32 $0.0e+00;
	v11 =	vimm.f32 $0.0e+00;
	[tilespmem:$0x9710] =	vst v63  }
0x3a: {  	s17 =	simm.s32 $0x0;
	s18 =	simm.s32 $0x3;
	v13 =	vimm.f32 $0.0e+00;
	v2 =	vimm.f32 $0.0e+00;
	v14 =	vimm.f32 $0.0e+00  }
0x3b: {  	s19 =	simm.s32 $0x9600;
	s20 =	simm.s32 $0x2580;
	v1 =	vimm.f32 $0.0e+00;
	v15 =	vimm.f32 $0.0e+00;
	v16 =	vimm.f32 $0.0e+00;
	s21 =	simm.s32 $0x0  }
.LBB2_8:
0x3c: {  	p0 =	sgt.u32 s21, $0x4  }
.Ltmp3:
0x3d: {  	_ = 	snop;
	(pc) =	sbr.rel @p0 .LBB2_11-.Ltmp3, $1  }
0x3e: {  	_ =	sdelay $0x3  }
0x3f: {  	s22 =	sand.u32 $0x3, s18  }
0x40: {  	s22 =	smul.u32 $0x3200, s22  }
0x41: {  	s23 =	sadd.s32 $0x0, s19;
	s24 =	sadd.s32 $0xFFFFFFFF, s21  }
0x42: {  	s25 =	sand.u32 $0x380, s20;
	s23 =	sand.u32 $0x7F000, s23;
	s22 =	sshrl.u32 s22, $0x2  }
0x43: {  	s24 =	sand.u32 $0x3, s24;
	s26 =	sshrl.u32 s23, $0x2;
	s22 =	sadd.s32 $0x6410, s22  }
0x44: {  	s23 =	sadd.s32 $0x1, s24;
	s25 =	sor.u32 s25, s26;
	s31 =	sadd.s32 $0x0, s22  }
0x45: {  	[tilespmem:s31], [sflag:s23] =	stream.indirect.gather [hbm4b:s4+s13], $0x1, s25, s13, $0xb8;
	[tilespmem:$0x9710] =	vst v63  }
0x46: {  	s24 =	simm.s32 $0x200;
	s25 =	smov.u32 s20  }
.LBB2_10:
0x47: {  	s26 =	sadd.s32 s24, s19;
	p0 =	sne.s32 s24, $0x3000  }
.Ltmp4:
0x48: {  	s28 =	smov.u32 s24;
	s24 =	sadd.s32 $0x200, s24;
	(pc) =	sbr.rel @p0 .LBB2_10-.Ltmp4, $4  }
0x49: {  	s25 =	sadd.s32 $0x80, s25;
	s26 =	sand.u32 $0x7F000, s26  }
0x4a: {  	s28 =	sshra.s32 s28, $0x2;
	s29 =	sand.u32 $0x380, s25;
	s26 =	sshrl.u32 s26, $0x2  }
0x4b: {  	s28 =	sadd.s32 s28, s22;
	s26 =	sor.u32 s29, s26  }
0x4c: {  	[tilespmem:s28], [sflag:s23] =	stream.indirect.gather [hbm4b:s4+s13], $0x1, s26, s13, $0xb8;
	[tilespmem:$0x9710] =	vst v63  }
.LBB2_11:
0x4d: {  	s22 =	sand.u32 $0x3, s21  }
0x4e: {  	s22 =	sadd.s32 $0x1, s22  }
0x4f: {  	_ =	swait.ge [sflag:s22], $0x80  }
0x50: {  	[sflag:s22] =	ssyncset.done $0x0  }
0x51: {  	[sflag:s22] =	ssyncadd.s32 $0xFFFFFF80  }
0x52: {  	_ =	swait.ge [sflag:s22], $0x80  }
0x53: {  	[sflag:s22] =	ssyncset.done $0x0  }
0x54: {  	[sflag:s22] =	ssyncadd.s32 $0xFFFFFF80  }
0x55: {  	_ =	swait.ge [sflag:s22], $0x80  }
0x56: {  	[sflag:s22] =	ssyncset.done $0x0  }
0x57: {  	[sflag:s22] =	ssyncadd.s32 $0xFFFFFF80  }
0x58: {  	_ =	swait.ge [sflag:s22], $0x80  }
0x59: {  	[sflag:s22] =	ssyncset.done $0x0  }
0x5a: {  	[sflag:s22] =	ssyncadd.s32 $0xFFFFFF80  }
0x5b: {  	_ =	swait.ge [sflag:s22], $0x80  }
0x5c: {  	[sflag:s22] =	ssyncset.done $0x0  }
0x5d: {  	[sflag:s22] =	ssyncadd.s32 $0xFFFFFF80  }
0x5e: {  	_ =	swait.ge [sflag:s22], $0x80  }
0x5f: {  	[sflag:s22] =	ssyncset.done $0x0  }
0x60: {  	[sflag:s22] =	ssyncadd.s32 $0xFFFFFF80  }
0x61: {  	_ =	swait.ge [sflag:s22], $0x80  }
0x62: {  	[sflag:s22] =	ssyncset.done $0x0  }
0x63: {  	[sflag:s22] =	ssyncadd.s32 $0xFFFFFF80  }
0x64: {  	_ =	swait.ge [sflag:s22], $0x80  }
0x65: {  	[sflag:s22] =	ssyncset.done $0x0  }
0x66: {  	[sflag:s22] =	ssyncadd.s32 $0xFFFFFF80  }
0x67: {  	_ =	swait.ge [sflag:s22], $0x80  }
0x68: {  	[sflag:s22] =	ssyncset.done $0x0  }
0x69: {  	[sflag:s22] =	ssyncadd.s32 $0xFFFFFF80  }
0x6a: {  	_ =	swait.ge [sflag:s22], $0x80  }
0x6b: {  	[sflag:s22] =	ssyncset.done $0x0  }
0x6c: {  	[sflag:s22] =	ssyncadd.s32 $0xFFFFFF80  }
0x6d: {  	_ =	swait.ge [sflag:s22], $0x80  }
0x6e: {  	[sflag:s22] =	ssyncset.done $0x0  }
0x6f: {  	[sflag:s22] =	ssyncadd.s32 $0xFFFFFF80  }
0x70: {  	_ =	swait.ge [sflag:s22], $0x80  }
0x71: {  	[sflag:s22] =	ssyncset.done $0x0  }
0x72: {  	[sflag:s22] =	ssyncadd.s32 $0xFFFFFF80  }
0x73: {  	_ =	swait.ge [sflag:s22], $0x80  }
0x74: {  	[sflag:s22] =	ssyncset.done $0x0  }
0x75: {  	[sflag:s22] =	ssyncadd.s32 $0xFFFFFF80  }
0x76: {  	_ =	swait.ge [sflag:s22], $0x80  }
0x77: {  	[sflag:s22] =	ssyncset.done $0x0  }
0x78: {  	[sflag:s22] =	ssyncadd.s32 $0xFFFFFF80  }
0x79: {  	_ =	swait.ge [sflag:s22], $0x80  }
0x7a: {  	[sflag:s22] =	ssyncset.done $0x0  }
0x7b: {  	[sflag:s22] =	ssyncadd.s32 $0xFFFFFF80  }
0x7c: {  	_ =	swait.ge [sflag:s22], $0x80  }
0x7d: {  	[sflag:s22] =	ssyncset.done $0x0  }
0x7e: {  	[sflag:s22] =	ssyncadd.s32 $0xFFFFFF80  }
0x7f: {  	_ =	swait.ge [sflag:s22], $0x80  }
0x80: {  	[sflag:s22] =	ssyncset.done $0x0  }
0x81: {  	[sflag:s22] =	ssyncadd.s32 $0xFFFFFF80  }
0x82: {  	_ =	swait.ge [sflag:s22], $0x80  }
0x83: {  	[sflag:s22] =	ssyncset.done $0x0  }
0x84: {  	[sflag:s22] =	ssyncadd.s32 $0xFFFFFF80  }
0x85: {  	_ =	swait.ge [sflag:s22], $0x80  }
0x86: {  	[sflag:s22] =	ssyncset.done $0x0  }
0x87: {  	[sflag:s22] =	ssyncadd.s32 $0xFFFFFF80  }
0x88: {  	_ =	swait.ge [sflag:s22], $0x80  }
0x89: {  	[sflag:s22] =	ssyncset.done $0x0  }
0x8a: {  	[sflag:s22] =	ssyncadd.s32 $0xFFFFFF80  }
0x8b: {  	_ =	swait.ge [sflag:s22], $0x80  }
0x8c: {  	[sflag:s22] =	ssyncset.done $0x0  }
0x8d: {  	[sflag:s22] =	ssyncadd.s32 $0xFFFFFF80  }
0x8e: {  	_ =	swait.ge [sflag:s22], $0x80  }
0x8f: {  	[sflag:s22] =	ssyncset.done $0x0  }
0x90: {  	s23 =	sand.u32 $0x3, s17;
	[sflag:s22] =	ssyncadd.s32 $0xFFFFFF80  }
0x91: {  	s23 =	smul.u32 $0x3200, s23;
	_ =	swait.ge [sflag:s22], $0x80  }
0x92: {  	[sflag:s22] =	ssyncset.done $0x0  }
0x93: {  	s23 =	sshrl.u32 s23, $0x2;
	[sflag:s22] =	ssyncadd.s32 $0xFFFFFF80  }
0x94: {  	s23 =	sadd.s32 $0x6450, s23;
	_ =	swait.ge [sflag:s22], $0x80  }
0x95: {  	v17 =	vmov s23;
	[sflag:s22] =	ssyncset.done $0x0  }
0x96: {  	[sflag:s22] =	ssyncadd.s32 $0xFFFFFF80  }
0x97: {  	_ =	swait.ge [sflag:s22], $0x80  }
0x98: {  	[sflag:s22] =	ssyncset.done $0x0  }
0x99: {  	s30 =	simm.s32 $0x0;
	[sflag:s22] =	ssyncadd.s32 $0xFFFFFF80  }
0x9a: {  	v18 =	vld.idx.msk [tilespmem:v17+s30+$0x0 ss:$0x1], $0xffff  }
0x9b: {  	v19 =	vld.idx.msk [tilespmem:v17+s30+$0xFFFFFFF0 ss:$0x1], $0xffff  }
0x9c: {  	v21 =	vld.idx.msk [tilespmem:v17+s30+$0x10 ss:$0x1], $0xffff  }
0x9d: {  	v20 =	vld.idx.msk [tilespmem:v17+s30+$0x30 ss:$0x1], $0xffff  }
0x9e: {  	v22 =	vld.idx.msk [tilespmem:v17+s30+$0x20 ss:$0x1], $0xffff  }
0x9f: {  	v23 =	vld.idx.msk [tilespmem:v17+s30+$0xFFFFFFC0 ss:$0x1], $0xffff  }
0xa0: {  	v25 =	vld.idx.msk [tilespmem:v17+s30+$0xFFFFFFE0 ss:$0x1], $0xffff;
	v24 =	vshll.u32 v18, $0x10;
	v26 =	vshll.u32 v19, $0x10  }
0xa1: {  	v19 =	vand.u32 $0xFFFF0000, v19;
	v18 =	vand.u32 $0xFFFF0000, v18;
	v27 =	vshll.u32 v21, $0x10  }
0xa2: {  	v28 =	vshll.u32 v20, $0x10;
	v20 =	vand.u32 $0xFFFF0000, v20;
	v2 =	vadd.f32 v24, v2;
	v24 =	vld.idx.msk [tilespmem:v17+s30+$0xFFFFFFD0 ss:$0x1], $0xffff  }
0xa3: {  	s31 =	simm.s32 $0x80;
	v14 =	vadd.f32 v26, v14;
	v8 =	vadd.f32 v19, v8;
	v19 =	vand.u32 $0xFFFF0000, v21  }
0xa4: {  	v29 =	vld.idx.msk [tilespmem:v17+s31+$0xFFFFFFF0 ss:$0x1], $0xffff;
	v12 =	vadd.f32 v28, v12;
	v21 =	vshll.u32 v23, $0x10;
	v6 =	vadd.f32 v18, v6  }
0xa5: {  	v26 =	vld.idx.msk [tilespmem:v17+s31+$0x0 ss:$0x1], $0xffff;
	v28 =	vshll.u32 v22, $0x10;
	v18 =	vand.u32 $0xFFFF0000, v23;
	v23 =	vand.u32 $0xFFFF0000, v25  }
0xa6: {  	v25 =	vshll.u32 v25, $0x10;
	v13 =	vadd.f32 v27, v13;
	v5 =	vadd.f32 v19, v5;
	v19 =	vld.idx.msk [tilespmem:v17+s31+$0x30 ss:$0x1], $0xffff  }
0xa7: {  	v16 =	vadd.f32 v21, v16;
	v10 =	vadd.f32 v18, v10;
	v21 =	vld.idx.msk [tilespmem:v17+s31+$0x10 ss:$0x1], $0xffff;
	v18 =	vand.u32 $0xFFFF0000, v24  }
0xa8: {  	v3 =	vadd.f32 v20, v3;
	v9 =	vadd.f32 v18, v9;
	v18 =	vand.u32 $0xFFFF0000, v22;
	v22 =	vld.idx.msk [tilespmem:v17+s31+$0xFFFFFFE0 ss:$0x1], $0xffff  }
0xa9: {  	v27 =	vand.u32 $0xFFFF0000, v29;
	v7 =	vadd.f32 v23, v7;
	v20 =	vshll.u32 v24, $0x10;
	v24 =	vld.idx.msk [tilespmem:v17+s31+$0xFFFFFFC0 ss:$0x1], $0xffff  }
0xaa: {  	v11 =	vadd.f32 v28, v11;
	v23 =	vshll.u32 v26, $0x10;
	v4 =	vadd.f32 v18, v4;
	v18 =	vld.idx.msk [tilespmem:v17+s31+$0x20 ss:$0x1], $0xffff  }
0xab: {  	v28 =	vshll.u32 v29, $0x10;
	v26 =	vand.u32 $0xFFFF0000, v26;
	v2 =	vadd.f32 v23, v2  }
0xac: {  	s22 =	simm.s32 $0x400;
	v15 =	vadd.f32 v20, v15;
	v20 =	vld.idx.msk [tilespmem:v17+s31+$0xFFFFFFD0 ss:$0x1], $0xffff;
	v23 =	vshll.u32 v21, $0x10;
	v29 =	vshll.u32 v19, $0x10  }
.LBB2_12:
0xad: {  	s23 =	sshra.s32 s22, $0x2;
	p0 =	sne.s32 s22, $0x3000;
	s22 =	sadd.s32 $0x200, s22;
	v14 =	vadd.f32 v28, v14;
	v1 =	vadd.f32 v25, v1;
	v25 =	vmov v22  }
0xae: {  	v8 =	vadd.f32 v27, v8;
	v21 =	vand.u32 $0xFFFF0000, v21;
	v12 =	vadd.f32 v29, v12;
	v30 =	vld.idx.msk [tilespmem:v17+s23+$0x0 ss:$0x1], $0xffff  }
0xaf: {  	v6 =	vadd.f32 v26, v6;
	v26 =	vshll.u32 v18, $0x10;
	v22 =	vshll.u32 v24, $0x10;
	v27 =	vld.idx.msk [tilespmem:v17+s23+$0xFFFFFFF0 ss:$0x1], $0xffff  }
0xb0: {  	v24 =	vand.u32 $0xFFFF0000, v24;
	v5 =	vadd.f32 v21, v5;
	v16 =	vadd.f32 v22, v16;
	v29 =	vld.idx.msk [tilespmem:v17+s23+$0x30 ss:$0x1], $0xffff  }
0xb1: {  	v28 =	vand.u32 $0xFFFF0000, v25;
	v10 =	vadd.f32 v24, v10;
	v24 =	vand.u32 $0xFFFF0000, v20;
	v21 =	vld.idx.msk [tilespmem:v17+s23+$0x10 ss:$0x1], $0xffff  }
0xb2: {  	v19 =	vand.u32 $0xFFFF0000, v19;
	v9 =	vadd.f32 v24, v9;
	v24 =	vand.u32 $0xFFFF0000, v18;
	v22 =	vld.idx.msk [tilespmem:v17+s23+$0xFFFFFFE0 ss:$0x1], $0xffff  }
.Ltmp5:
0xb3: {  	v25 =	vshll.u32 v25, $0x10;
	v7 =	vadd.f32 v28, v7;
	v4 =	vadd.f32 v24, v4;
	v18 =	vld.idx.msk [tilespmem:v17+s23+$0x20 ss:$0x1], $0xffff;
	(pc) =	sbr.rel @p0 .LBB2_12-.Ltmp5, $4  }
0xb4: {  	v13 =	vadd.f32 v23, v13;
	v3 =	vadd.f32 v19, v3;
	v28 =	vshll.u32 v30, $0x10;
	v24 =	vld.idx.msk [tilespmem:v17+s23+$0xFFFFFFC0 ss:$0x1], $0xffff  }
0xb5: {  	v11 =	vadd.f32 v26, v11;
	v23 =	vshll.u32 v20, $0x10;
	v2 =	vadd.f32 v28, v2  }
0xb6: {  	v15 =	vadd.f32 v23, v15;
	v28 =	vshll.u32 v27, $0x10;
	v27 =	vand.u32 $0xFFFF0000, v27;
	v19 =	vmovc v29;
	v20 =	vld.idx.msk [tilespmem:v17+s23+$0xFFFFFFD0 ss:$0x1], $0xffff  }
0xb7: {  	v26 =	vand.u32 $0xFFFF0000, v30;
	v23 =	vshll.u32 v21, $0x10;
	v29 =	vshll.u32 v19, $0x10  }
0xb8: {  	v14 =	vadd.f32 v28, v14  }
0xb9: {  	v1 =	vadd.f32 v25, v1;
	v8 =	vadd.f32 v27, v8;
	v17 =	vand.u32 $0xFFFF0000, v21  }
0xba: {  	v12 =	vadd.f32 v29, v12;
	v6 =	vadd.f32 v26, v6;
	v61 =	vshll.u32 v18, $0x10  }
0xbb: {  	v63 =	vand.u32 $0xFFFF0000, v22;
	v13 =	vadd.f32 v23, v13;
	s21 =	sadd.s32 $0x1, s21;
	v60 =	vshll.u32 v24, $0x10  }
0xbc: {  	v62 =	vand.u32 $0xFFFF0000, v24;
	v5 =	vadd.f32 v17, v5;
	v7 =	vadd.f32 v63, v7;
	p0 =	sne.s32 s21, $0x8  }
.Ltmp6:
0xbd: {  	v11 =	vadd.f32 v61, v11;
	v16 =	vadd.f32 v60, v16;
	v17 =	vand.u32 $0xFFFF0000, v20;
	(pc) =	sbr.rel @p0 .LBB2_8-.Ltmp6, $4  }
0xbe: {  	v10 =	vadd.f32 v62, v10;
	v9 =	vadd.f32 v17, v9  }
0xbf: {  	v17 =	vand.u32 $0xFFFF0000, v18;
	v18 =	vand.u32 $0xFFFF0000, v19;
	v19 =	vshll.u32 v22, $0x10  }
0xc0: {  	s18 =	sadd.s32 $0x1, s18;
	v4 =	vadd.f32 v17, v4;
	v17 =	vshll.u32 v20, $0x10;
	v1 =	vadd.f32 v19, v1  }
0xc1: {  	s19 =	sadd.s32 $0x3200, s19;
	s20 =	sadd.s32 $0xC80, s20;
	s17 =	sadd.s32 $0x1, s17;
	v3 =	vadd.f32 v18, v3;
	v15 =	vadd.f32 v17, v15  }
0xc2: {  	v17 =	vbroadcast v0, $0x0;
	_ =	sdelay $0x1  }
0xc3: {  	v16 =	vadd.f32 v16, v17  }
0xc4: {  	v15 =	vadd.f32 v15, v17  }
0xc5: {  	v1 =	vadd.f32 v1, v17;
	[tilespmem:$0x9610] =	vst v16  }
0xc6: {  	v14 =	vadd.f32 v14, v17;
	[tilespmem:$0x9620] =	vst v15  }
0xc7: {  	v52 =	vadd.f32 v2, v17;
	[tilespmem:$0x9630] =	vst v1  }
0xc8: {  	v53 =	vadd.f32 v13, v17;
	[tilespmem:$0x9640] =	vst v14  }
0xc9: {  	v55 =	vbroadcast v0, $0x1;
	v54 =	vadd.f32 v11, v17;
	[tilespmem:$0x9650] =	vst v52  }
0xca: {  	v56 =	vadd.f32 v12, v17;
	[tilespmem:$0x9660] =	vst v53  }
0xcb: {  	v57 =	vadd.f32 v10, v55;
	[tilespmem:$0x9670] =	vst v54  }
0xcc: {  	v58 =	vadd.f32 v9, v55;
	[tilespmem:$0x9680] =	vst v56  }
0xcd: {  	v59 =	vadd.f32 v7, v55;
	[tilespmem:$0x9690] =	vst v57  }
0xce: {  	v60 =	vadd.f32 v8, v55;
	[tilespmem:$0x96A0] =	vst v58  }
0xcf: {  	v61 =	vadd.f32 v6, v55;
	[tilespmem:$0x96B0] =	vst v59  }
0xd0: {  	v62 =	vadd.f32 v5, v55;
	[tilespmem:$0x96C0] =	vst v60  }
0xd1: {  	v63 =	vadd.f32 v4, v55;
	[tilespmem:$0x96D0] =	vst v61  }
0xd2: {  	v0 =	vadd.f32 v3, v55;
	[tilespmem:$0x96E0] =	vst v62  }
0xd3: {  	[tilespmem:$0x96F0] =	vst v63  }
0xd4: {  	[tilespmem:$0x9700] =	vst v0  }
0xd5: {  	[hbm4b:s6+s3] =	stream.linear.scatter [tilespmem:s14], [sflag:$0x5], $0x80, $0x38;
	[tilespmem:$0x9710] =	vst v63  }
0xd6: {  	s16 =	sadd.s32 $0x1, s16;
	_ =	swait.ge [sflag:s11], $0x80  }
0xd7: {  	p0 =	sne.s32 s16, s8;
	[sflag:s11] =	ssyncset.done $0x0  }
.Ltmp7:
0xd8: {  	[sflag:s11] =	ssyncadd.s32 $0xFFFFFF80;
	(pc) =	sbr.rel @p0 .LBB2_1-.Ltmp7, $4  }
0xd9: {  	[hbm4b:s7+s3] =	stream.linear.scatter [tilespmem:s15], [sflag:$0x5], $0x80, $0x38;
	[tilespmem:$0x9710] =	vst v63  }
0xda: {  	_ =	swait.ge [sflag:s11], $0x80  }
0xdb: {  	[sflag:s11] =	ssyncset.done $0x0  }
0xdc: {  	[sflag:s11] =	ssyncadd.s32 $0xFFFFFF80  }
0xdd: {  	_ =	sfence.sel $0x180000  }
0xde: {  	[bflag:$0x0] =	sbarrier.arrive $0xFFFF  }
0xdf: {  	p0 =	sne.s32 s1, $0x0;
	_ =	strace $0x90000047  }
0xe0: {  	s0 =	sadd.s32 @!p0 $0x100000, s0;
	[bflag:$0x2] =	sbarrier.arrive $0xFFFF  }
0xe1: {  	[sflag:s0] =	ssyncadd.tile.s32 @!p0 $0x1;
	_ =	shalt  }
.Lfunc_end2:
_tile_overlayer_lowered:
.L_overlay_start_2:
0xe2: {  	(tag) =	ssettag $0x2  }
0xe3: {  	s0 =	rddreg [dreg:$0x0];
	s2 =	stileid.u32  }
0xe4: {  	s1 =	rddreg [dreg:$0x1];
	p0 =	sne.s32 s2, $0x0  }
0xe5: {  	s3 =	rddreg [dreg:$0x2];
	[bflag:$0x3] =	sbarrier.arrive $0xFFFF;
	s2 =	simm.s32 @!p0 $0x1C05  }
0xe6: {  	[timem:s3], [sflag:s2] =	dma.local @!p0 [hbm:s0], s1  }
0xe7: {  	s0 =	simm.s32 @!p0 $0x5  }
0xe8: {  	_ =	swait.ge @!p0 [sflag:s0], s1  }
0xe9: {  	s1 =	ssub.s32 @!p0 $0x0, s1;
	[sflag:s0] =	ssyncset.done @!p0 $0x0  }
0xea: {  	[sflag:s0] =	ssyncadd.s32 @!p0 s1  }
0xeb: {  	[bflag:$0x3] =	sbarrier.arrive $0xFFFF  }
0xec: {  	_ =	shalt  }

</sc_bundles>
